<compile_context>
chip_gen: v7x
topology: tpu7x:2x2x1
jax: 0.10.2.dev20260603
libtpu: 0.0.44.dev20260713+nightly
codegen_flags: <defaults>
</compile_context>

<pallas_src>
import functools

import jax
import jax.numpy as jnp
from jax import lax
from jax.experimental import pallas as pl
from jax.experimental.pallas import tpu as pltpu
from jax.experimental.pallas import tpu_sc as plsc

NC = 2
NS = 16
NW = NC * NS
LANES = 16
CH = 128


def _sc_mesh():
    return plsc.VectorSubcoreMesh(core_axis_name="c", subcore_axis_name="s")


def _sc_params():
    return pltpu.CompilerParams(needs_layout_passes=False)


@functools.lru_cache(maxsize=None)
def _deg_fn(ep, ndeg):
    njd = ep // NW // CH

    @functools.partial(
        pl.kernel,
        out_type=jax.ShapeDtypeStruct((NW, ndeg), jnp.float32),
        mesh=_sc_mesh(),
        compiler_params=_sc_params(),
        scratch_types=[
            pltpu.VMEM((njd, CH), jnp.int32),
            pltpu.VMEM((ndeg,), jnp.float32),
        ],
    )
    def deg_kernel(dst_hbm, out_hbm, dst_v, deg_v):
        c = lax.axis_index("c")
        s = lax.axis_index("s")
        w = s * NC + c
        pltpu.sync_copy(dst_hbm.at[w], dst_v)
        zero16 = jnp.zeros((LANES,), jnp.float32)
        ones16 = jnp.ones((LANES,), jnp.float32)

        def zb(i, carry):
            deg_v[pl.ds(i * LANES, LANES)] = zero16
            return carry

        lax.fori_loop(0, ndeg // LANES, zb, 0)

        def body(j, carry):
            for k in range(CH // LANES):
                idx = dst_v[j, pl.ds(k * LANES, LANES)]
                plsc.addupdate_scatter(deg_v, [idx], ones16)
            return carry

        lax.fori_loop(0, njd, body, 0)
        pltpu.sync_copy(deg_v, out_hbm.at[w])

    return deg_kernel


@functools.lru_cache(maxsize=None)
def _scatter_fn(ep, n, d, ea, eb):
    chs = 64
    hp = ((n + 1 + NS * 8 - 1) // (NS * 8)) * NS * 8
    rt = hp // NS
    emax = max(ea, eb)
    assert 16 * (ea + eb) == ep
    assert ea % (2 * chs) == 0 and eb % (2 * chs) == 0 and rt % 8 == 0

    @functools.partial(
        pl.kernel,
        out_type=jax.ShapeDtypeStruct((NC, hp, d), jnp.float32),
        mesh=_sc_mesh(),
        compiler_params=_sc_params(),
        scratch_types=[
            pltpu.VMEM((emax,), jnp.int32),
            pltpu.VMEM((emax,), jnp.int32),
            pltpu.VMEM((chs, d), jnp.float32),
            pltpu.VMEM((chs, d), jnp.float32),
            pltpu.VMEM((8, d), jnp.float32),
            pltpu.VMEM_SHARED((hp, d), jnp.float32),
            pltpu.SemaphoreType.DMA,
            pltpu.SemaphoreType.DMA,
        ],
    )
    def scat_kernel(t_hbm, src_hbm, dst_hbm, out_hbm,
                    src_v, dst_v, rows_a, rows_b, zbuf, acc, sem_a, sem_b):
        c = lax.axis_index("c")
        s = lax.axis_index("s")

        def gather(j, buf, sem):
            pltpu.async_copy(
                t_hbm.at[src_v.at[pl.ds(j * chs, chs)]], buf, sem)

        def gwait(buf, sem):
            pltpu.make_async_copy(
                t_hbm.at[src_v.at[pl.ds(0, chs)]], buf, sem).wait()

        def scat(j, buf):
            pltpu.sync_copy(buf, acc.at[dst_v.at[pl.ds(j * chs, chs)]],
                            add=True)

        zero16 = jnp.zeros((LANES,), jnp.float32)

        def zb(r, carry):
            for kk in range(d // LANES):
                zbuf[r, pl.ds(kk * LANES, LANES)] = zero16
            return carry

        def run(esz, off):
            nj = esz // chs
            pltpu.sync_copy(src_hbm.at[pl.ds(off, esz)],
                            src_v.at[pl.ds(0, esz)])
            pltpu.sync_copy(dst_hbm.at[pl.ds(off, esz)],
                            dst_v.at[pl.ds(0, esz)])
            lax.fori_loop(0, 8, zb, 0)

            def zc(z, carry):
                pltpu.sync_copy(zbuf, acc.at[pl.ds(s * rt + z * 8, 8)])
                return carry

            lax.fori_loop(0, rt // 8, zc, 0)
            plsc.subcore_barrier()
            gather(0, rows_a, sem_a)

            def body(i, carry):
                j0 = 2 * i
                gather(j0 + 1, rows_b, sem_b)
                gwait(rows_a, sem_a)
                scat(j0, rows_a)

                @pl.when(j0 + 2 < nj)
                def _():
                    gather(j0 + 2, rows_a, sem_a)

                gwait(rows_b, sem_b)
                scat(j0 + 1, rows_b)
                return carry

            lax.fori_loop(0, nj // 2, body, 0)
            plsc.subcore_barrier()
            pltpu.sync_copy(acc.at[pl.ds(s * rt, rt)],
                            out_hbm.at[c, pl.ds(s * rt, rt)])

        @pl.when(c == 0)
        def _():
            run(ea, s * ea)

        @pl.when(c == 1)
        def _():
            run(eb, NS * ea + s * eb)

    return scat_kernel


def _tc_dinv(deg_partial, ndeg):
    def kfn(dp_ref, out_ref):
        sdeg = jnp.sum(dp_ref[...], axis=0, keepdims=True) + 1.0
        out_ref[...] = lax.rsqrt(sdeg)

    return pl.pallas_call(
        kfn,
        out_shape=jax.ShapeDtypeStruct((1, ndeg), jnp.float32),
    )(deg_partial)


def _tc_first(x, w_mat, dinv2d):
    n, d = x.shape
    br = 1000

    def kfn(h_ref, w_ref, dv_ref, o_ref):
        t = jnp.dot(h_ref[...], w_ref[...], preferred_element_type=jnp.float32)
        o_ref[...] = t * dv_ref[...]

    return pl.pallas_call(
        kfn,
        grid=(n // br,),
        in_specs=[
            pl.BlockSpec((br, d), lambda i: (i, 0)),
            pl.BlockSpec((d, d), lambda i: (0, 0)),
            pl.BlockSpec((br, 1), lambda i: (i, 0)),
        ],
        out_specs=pl.BlockSpec((br, d), lambda i: (i, 0)),
        out_shape=jax.ShapeDtypeStruct((n, d), jnp.float32),
    )(x, w_mat, dinv2d)


def _tc_mid(parts, tp, dinv2d, brow, w_mat):
    n, d = tp.shape
    br = 1000

    def kfn(a_ref, a2_ref, t_ref, dv_ref, bias_ref, w_ref, pre_ref, o_ref):
        pre = ((a_ref[0] + a2_ref[0] + t_ref[...]) * dv_ref[...]
               + bias_ref[...])
        pre_ref[...] = pre
        h = jnp.maximum(pre, 0.0)
        t = jnp.dot(h, w_ref[...], preferred_element_type=jnp.float32)
        o_ref[...] = t * dv_ref[...]

    return pl.pallas_call(
        kfn,
        grid=(n // br,),
        in_specs=[
            pl.BlockSpec((1, br, d), lambda i: (0, i, 0)),
            pl.BlockSpec((1, br, d), lambda i: (1, i, 0)),
            pl.BlockSpec((br, d), lambda i: (i, 0)),
            pl.BlockSpec((br, 1), lambda i: (i, 0)),
            pl.BlockSpec((1, d), lambda i: (0, 0)),
            pl.BlockSpec((d, d), lambda i: (0, 0)),
        ],
        out_specs=[
            pl.BlockSpec((br, d), lambda i: (i, 0)),
            pl.BlockSpec((br, d), lambda i: (i, 0)),
        ],
        out_shape=[
            jax.ShapeDtypeStruct((n, d), jnp.float32),
            jax.ShapeDtypeStruct((n, d), jnp.float32),
        ],
    )(parts, parts, tp, dinv2d, brow, w_mat)


def kernel(x, edge_index, W1, b1, W2, b2, W3, b3):
    n, d = x.shape
    e = edge_index.shape[1]
    ep = pl.cdiv(e, NW * CH) * NW * CH
    ndeg = ((n + CH) // CH) * CH

    pad = ep - e
    hp0 = ((n + 1 + NS * 8 - 1) // (NS * 8)) * NS * 8
    pad_dst = n + jnp.arange(pad, dtype=edge_index.dtype) % (hp0 - n)
    src_pad = jnp.concatenate(
        [edge_index[0], jnp.zeros((pad,), edge_index.dtype)])
    dst_pad = jnp.concatenate([edge_index[1], pad_dst])
    njd = ep // NW // CH
    dstdeg = dst_pad.reshape(NW, njd, CH)

    degp = _deg_fn(ep, ndeg)(dstdeg)
    dinv2d = _tc_dinv(degp, ndeg)[0, :n].reshape(n, 1)
    b1r, b2r, b3r = (b.reshape(1, d) for b in (b1, b2, b3))

    epw = ep // NW
    ea = (int(2 * epw * 0.766) // 128) * 128
    eb = 2 * epw - ea
    scat = _scatter_fn(ep, n, d, ea, eb)

    def run_scatter(t):
        return scat(t, src_pad, dst_pad)

    t1 = _tc_first(x, W1, dinv2d)

    w_stack = jnp.stack([W2, W3, jnp.eye(d, dtype=x.dtype)])
    b_stack = jnp.stack([b1r, b2r, b3r])

    def step(t, xs):
        w_l, b_l = xs
        parts = run_scatter(t)
        pre, t_next = _tc_mid(parts, t, dinv2d, b_l, w_l)
        return t_next, pre

    _, pres = lax.scan(step, t1, (w_stack, b_stack))
    return pres[-1]

# --- scband reference (transcript-rebuilt; emitter-appended) ---
"""Pipeline reference for scband-gnn-33775622815761 (READ-ONLY COPY).

The authoritative reference and input builder live on the scoring server;
editing this copy changes nothing except your own understanding.
"""

import jax, jax.numpy as jnp
import numpy as np

N = 10000
E = 320000
D = 128


def setup_inputs(seed: int = 0) -> dict:
    key = jax.random.key(seed)
    ks = jax.random.split(key, 9)
    x = jax.random.normal(ks[0], (N, D), dtype=jnp.float32)
    edge_index = jax.random.randint(ks[1], (2, E), 0, N, dtype=jnp.int32)
    scale = 1.0 / np.sqrt(D)
    W1 = jax.random.normal(ks[2], (D, D), dtype=jnp.float32) * scale
    b1 = jnp.zeros((D,), dtype=jnp.float32)
    W2 = jax.random.normal(ks[3], (D, D), dtype=jnp.float32) * scale
    b2 = jnp.zeros((D,), dtype=jnp.float32)
    W3 = jax.random.normal(ks[4], (D, D), dtype=jnp.float32) * scale
    b3 = jnp.zeros((D,), dtype=jnp.float32)
    return {"x": x, "edge_index": edge_index, "W1": W1, "b1": b1, "W2": W2, "b2": b2, "W3": W3, "b3": b3}


def _gcn_layer(x, edge_index, W, b):
    # PyG GCNConv: add self-loops (weight 1), symmetric normalization
    n = x.shape[0]
    loop = jnp.arange(n, dtype=edge_index.dtype)
    src = jnp.concatenate([edge_index[0], loop])
    dst = jnp.concatenate([edge_index[1], loop])
    ew = jnp.ones(src.shape[0], dtype=x.dtype)
    deg = jnp.zeros((n,), dtype=x.dtype).at[dst].add(ew)
    dinv = jnp.where(deg > 0, 1.0 / jnp.sqrt(deg), 0.0)
    norm = dinv[src] * dinv[dst]
    h = x @ W
    msg = h[src] * norm[:, None]
    out = jnp.zeros((n, h.shape[1]), dtype=x.dtype).at[dst].add(msg)
    return out + b


def reference(x, edge_index, W1, b1, W2, b2, W3, b3):
    # Layer 1 + relu (dropout is identity in eval mode)
    h = jax.nn.relu(_gcn_layer(x, edge_index, W1, b1))
    # Layer 2 (middle) + relu
    h = jax.nn.relu(_gcn_layer(h, edge_index, W2, b2))
    # Final layer, no activation
    h = _gcn_layer(h, edge_index, W3, b3)
    return h

if __name__ == "__main__":
    import jax
    _d = setup_inputs()
    print(jax.jit(kernel)(*tuple(_d.values())))

</pallas_src>

<mosaic_0001>
#map = affine_map<(d0, d1) -> (0, 0)>
#map1 = affine_map<(d0, d1) -> (0)>
#map2 = affine_map<(d0, d1) -> (0, 0, 0)>
module attributes {stable_mosaic.version = 14 : i64} {
  func.func @scat_kernel(%arg0: i32, %arg1: i32, %arg2: memref<10000x128xf32, #tpu.memory_space<hbm>>, %arg3: memref<323584xi32, #tpu.memory_space<hbm>>, %arg4: memref<323584xi32, #tpu.memory_space<hbm>>, %arg5: memref<2x10112x128xf32, #tpu.memory_space<hbm>>, %arg6: memref<15488xi32, #tpu.memory_space<vmem>>, %arg7: memref<15488xi32, #tpu.memory_space<vmem>>, %arg8: memref<64x128xf32, #tpu.memory_space<vmem>>, %arg9: memref<64x128xf32, #tpu.memory_space<vmem>>, %arg10: memref<8x128xf32, #tpu.memory_space<vmem>>, %arg11: memref<10112x128xf32, #tpu.memory_space<vmem_shared>>, %arg12: memref<!tpu.dma_semaphore, #tpu.memory_space<semaphore_mem>>, %arg13: memref<!tpu.dma_semaphore, #tpu.memory_space<semaphore_mem>>) attributes {dimension_semantics = [#tpu.dimension_semantics<core_parallel>, #tpu.dimension_semantics<subcore_parallel>], iteration_bounds = array<i64: 2, 16>, scalar_prefetch = 0 : i64, scratch_operands = 8 : i64, tpu.core_type = #tpu.core_type<sc_vector_subcore>, window_params = [{transform_indices = #map}, {transform_indices = #map1}, {transform_indices = #map1}, {transform_indices = #map2}]} {
    %broadcast_in_dim3A = arith.constant 0.000000e+00 : f32
    %broadcast_in_dim3A_0 = vector.broadcast %broadcast_in_dim3A : f32 to vector<16xf32>
    %eq3A = arith.constant 0 : i32
    %eq3A_1 = arith.cmpi eq, %arg0, %eq3A : i32
    %convert_element_type3A = arith.extui %eq3A_1 : i1 to i32
    %cond3A = arith.constant 0 : i32
    %cond3A_2 = arith.cmpi ne, %convert_element_type3A, %cond3A : i32
    scf.if %cond3A_2 {
      %mul3A = arith.constant 15488 : i32
      %mul3A_8 = arith.muli %arg1, %mul3A : i32
      "tpu.region"() ({
        %run_scoped3A = tpu.sem_alloc : memref<!tpu.dma_semaphore, #tpu.memory_space<semaphore_mem>>
        %dma_start3A_35 = arith.constant 0 : i32
        %dma_start3A_36 = tpu.memref_slice %arg6[%dma_start3A_35] : memref<15488xi32, #tpu.memory_space<vmem>> -> memref<15488xi32, #tpu.memory_space<vmem>>
        %dma_start3A_37 = tpu.memref_slice %arg3[%mul3A_8] : memref<323584xi32, #tpu.memory_space<hbm>> -> memref<15488xi32, #tpu.memory_space<hbm>>
        %dma_start3A_38 = arith.constant 0 : i32
        %dma_start3A_39 = tpu.memref_slice %arg6[%dma_start3A_38] : memref<15488xi32, #tpu.memory_space<vmem>> -> memref<15488xi32, #tpu.memory_space<vmem>>
        %dma_start3A_40 = tpu.memref_slice %arg3[%mul3A_8] : memref<323584xi32, #tpu.memory_space<hbm>> -> memref<15488xi32, #tpu.memory_space<hbm>>
        tpu.enqueue_dma source(%dma_start3A_40 : memref<15488xi32, #tpu.memory_space<hbm>>) target(%dma_start3A_39 : memref<15488xi32, #tpu.memory_space<vmem>>) target_semaphore(%run_scoped3A : memref<!tpu.dma_semaphore, #tpu.memory_space<semaphore_mem>>)
        %dma_wait3A = arith.constant 0 : i32
        %dma_wait3A_41 = tpu.memref_slice %arg6[%dma_wait3A] : memref<15488xi32, #tpu.memory_space<vmem>> -> memref<15488xi32, #tpu.memory_space<vmem>>
        %dma_wait3A_42 = tpu.memref_slice %arg3[%mul3A_8] : memref<323584xi32, #tpu.memory_space<hbm>> -> memref<15488xi32, #tpu.memory_space<hbm>>
        %dma_wait3A_43 = arith.constant 0 : i32
        %dma_wait3A_44 = tpu.memref_slice %arg6[%dma_wait3A_43] : memref<15488xi32, #tpu.memory_space<vmem>> -> memref<15488xi32, #tpu.memory_space<vmem>>
        %dma_wait3A_45 = tpu.memref_slice %arg3[%mul3A_8] : memref<323584xi32, #tpu.memory_space<hbm>> -> memref<15488xi32, #tpu.memory_space<hbm>>
        tpu.wait_dma2 semaphore(%run_scoped3A : memref<!tpu.dma_semaphore, #tpu.memory_space<semaphore_mem>>) src(%dma_wait3A_45 : memref<15488xi32, #tpu.memory_space<hbm>>) dst(%dma_wait3A_44 : memref<15488xi32, #tpu.memory_space<vmem>>)
        tpu.yield
      }) : () -> ()
      "tpu.region"() ({
        %run_scoped3A = tpu.sem_alloc : memref<!tpu.dma_semaphore, #tpu.memory_space<semaphore_mem>>
        %dma_start3A_35 = arith.constant 0 : i32
        %dma_start3A_36 = tpu.memref_slice %arg7[%dma_start3A_35] : memref<15488xi32, #tpu.memory_space<vmem>> -> memref<15488xi32, #tpu.memory_space<vmem>>
        %dma_start3A_37 = tpu.memref_slice %arg4[%mul3A_8] : memref<323584xi32, #tpu.memory_space<hbm>> -> memref<15488xi32, #tpu.memory_space<hbm>>
        %dma_start3A_38 = arith.constant 0 : i32
        %dma_start3A_39 = tpu.memref_slice %arg7[%dma_start3A_38] : memref<15488xi32, #tpu.memory_space<vmem>> -> memref<15488xi32, #tpu.memory_space<vmem>>
        %dma_start3A_40 = tpu.memref_slice %arg4[%mul3A_8] : memref<323584xi32, #tpu.memory_space<hbm>> -> memref<15488xi32, #tpu.memory_space<hbm>>
        tpu.enqueue_dma source(%dma_start3A_40 : memref<15488xi32, #tpu.memory_space<hbm>>) target(%dma_start3A_39 : memref<15488xi32, #tpu.memory_space<vmem>>) target_semaphore(%run_scoped3A : memref<!tpu.dma_semaphore, #tpu.memory_space<semaphore_mem>>)
        %dma_wait3A = arith.constant 0 : i32
        %dma_wait3A_41 = tpu.memref_slice %arg7[%dma_wait3A] : memref<15488xi32, #tpu.memory_space<vmem>> -> memref<15488xi32, #tpu.memory_space<vmem>>
        %dma_wait3A_42 = tpu.memref_slice %arg4[%mul3A_8] : memref<323584xi32, #tpu.memory_space<hbm>> -> memref<15488xi32, #tpu.memory_space<hbm>>
        %dma_wait3A_43 = arith.constant 0 : i32
        %dma_wait3A_44 = tpu.memref_slice %arg7[%dma_wait3A_43] : memref<15488xi32, #tpu.memory_space<vmem>> -> memref<15488xi32, #tpu.memory_space<vmem>>
        %dma_wait3A_45 = tpu.memref_slice %arg4[%mul3A_8] : memref<323584xi32, #tpu.memory_space<hbm>> -> memref<15488xi32, #tpu.memory_space<hbm>>
        tpu.wait_dma2 semaphore(%run_scoped3A : memref<!tpu.dma_semaphore, #tpu.memory_space<semaphore_mem>>) src(%dma_wait3A_45 : memref<15488xi32, #tpu.memory_space<hbm>>) dst(%dma_wait3A_44 : memref<15488xi32, #tpu.memory_space<vmem>>)
        tpu.yield
      }) : () -> ()
      %scan3A = arith.constant 0 : i32
      %scan3A_9 = arith.constant 0 : i32
      %scan3A_10 = arith.constant 8 : i32
      %scan3A_11 = arith.addi %scan3A_9, %scan3A_10 : i32
      %scan3A_12 = arith.constant 1 : i32
      scf.for %scan3A_35 = %scan3A_9 to %scan3A_11 step %scan3A_12  : i32 {
        %swap3A = arith.index_cast %scan3A_35 : i32 to index
        %swap3A_36 = arith.constant 0 : index
        %swap3A_37 = tpu.vector_load %arg10[%swap3A, %swap3A_36] {strides = array<i32>} : memref<8x128xf32, #tpu.memory_space<vmem>>, vector<16xf32>,
        tpu.vector_store %arg10[%swap3A, %swap3A_36], %broadcast_in_dim3A_0 {strides = array<i32>} : memref<8x128xf32, #tpu.memory_space<vmem>>, vector<16xf32>,
        %swap3A_38 = arith.index_cast %scan3A_35 : i32 to index
        %swap3A_39 = arith.constant 16 : index
        %swap3A_40 = tpu.vector_load %arg10[%swap3A_38, %swap3A_39] {strides = array<i32>} : memref<8x128xf32, #tpu.memory_space<vmem>>, vector<16xf32>,
        tpu.vector_store %arg10[%swap3A_38, %swap3A_39], %broadcast_in_dim3A_0 {strides = array<i32>} : memref<8x128xf32, #tpu.memory_space<vmem>>, vector<16xf32>,
        %swap3A_41 = arith.index_cast %scan3A_35 : i32 to index
        %swap3A_42 = arith.constant 32 : index
        %swap3A_43 = tpu.vector_load %arg10[%swap3A_41, %swap3A_42] {strides = array<i32>} : memref<8x128xf32, #tpu.memory_space<vmem>>, vector<16xf32>,
        tpu.vector_store %arg10[%swap3A_41, %swap3A_42], %broadcast_in_dim3A_0 {strides = array<i32>} : memref<8x128xf32, #tpu.memory_space<vmem>>, vector<16xf32>,
        %swap3A_44 = arith.index_cast %scan3A_35 : i32 to index
        %swap3A_45 = arith.constant 48 : index
        %swap3A_46 = tpu.vector_load %arg10[%swap3A_44, %swap3A_45] {strides = array<i32>} : memref<8x128xf32, #tpu.memory_space<vmem>>, vector<16xf32>,
        tpu.vector_store %arg10[%swap3A_44, %swap3A_45], %broadcast_in_dim3A_0 {strides = array<i32>} : memref<8x128xf32, #tpu.memory_space<vmem>>, vector<16xf32>,
        %swap3A_47 = arith.index_cast %scan3A_35 : i32 to index
        %swap3A_48 = arith.constant 64 : index
        %swap3A_49 = tpu.vector_load %arg10[%swap3A_47, %swap3A_48] {strides = array<i32>} : memref<8x128xf32, #tpu.memory_space<vmem>>, vector<16xf32>,
        tpu.vector_store %arg10[%swap3A_47, %swap3A_48], %broadcast_in_dim3A_0 {strides = array<i32>} : memref<8x128xf32, #tpu.memory_space<vmem>>, vector<16xf32>,
        %swap3A_50 = arith.index_cast %scan3A_35 : i32 to index
        %swap3A_51 = arith.constant 80 : index
        %swap3A_52 = tpu.vector_load %arg10[%swap3A_50, %swap3A_51] {strides = array<i32>} : memref<8x128xf32, #tpu.memory_space<vmem>>, vector<16xf32>,
        tpu.vector_store %arg10[%swap3A_50, %swap3A_51], %broadcast_in_dim3A_0 {strides = array<i32>} : memref<8x128xf32, #tpu.memory_space<vmem>>, vector<16xf32>,
        %swap3A_53 = arith.index_cast %scan3A_35 : i32 to index
        %swap3A_54 = arith.constant 96 : index
        %swap3A_55 = tpu.vector_load %arg10[%swap3A_53, %swap3A_54] {strides = array<i32>} : memref<8x128xf32, #tpu.memory_space<vmem>>, vector<16xf32>,
        tpu.vector_store %arg10[%swap3A_53, %swap3A_54], %broadcast_in_dim3A_0 {strides = array<i32>} : memref<8x128xf32, #tpu.memory_space<vmem>>, vector<16xf32>,
        %swap3A_56 = arith.index_cast %scan3A_35 : i32 to index
        %swap3A_57 = arith.constant 112 : index
        %swap3A_58 = tpu.vector_load %arg10[%swap3A_56, %swap3A_57] {strides = array<i32>} : memref<8x128xf32, #tpu.memory_space<vmem>>, vector<16xf32>,
        tpu.vector_store %arg10[%swap3A_56, %swap3A_57], %broadcast_in_dim3A_0 {strides = array<i32>} : memref<8x128xf32, #tpu.memory_space<vmem>>, vector<16xf32>,
      }
      %scan3A_13 = arith.constant 8 : i32
      %scan3A_14 = arith.constant 0 : i32
      %scan3A_15 = arith.constant 0 : i32
      %scan3A_16 = arith.constant 79 : i32
      %scan3A_17 = arith.addi %scan3A_15, %scan3A_16 : i32
      %scan3A_18 = arith.constant 1 : i32
      scf.for %scan3A_35 = %scan3A_15 to %scan3A_17 step %scan3A_18  : i32 {
        %mul3A_36 = arith.constant 632 : i32
        %mul3A_37 = arith.muli %arg1, %mul3A_36 : i32
        %mul3A_38 = arith.constant 8 : i32
        %mul3A_39 = arith.muli %scan3A_35, %mul3A_38 : i32
        %add3A = arith.addi %mul3A_37, %mul3A_39 : i32
        "tpu.region"() ({
          %run_scoped3A = tpu.sem_alloc : memref<!tpu.dma_semaphore, #tpu.memory_space<semaphore_mem>>
          %dma_start3A_40 = arith.constant 0 : i32
          %dma_start3A_41 = tpu.memref_slice %arg11[%add3A, %dma_start3A_40] : memref<10112x128xf32, #tpu.memory_space<vmem_shared>> -> memref<8x128xf32, #tpu.memory_space<vmem_shared>>
          %dma_start3A_42 = arith.constant 0 : i32
          %dma_start3A_43 = tpu.memref_slice %arg11[%add3A, %dma_start3A_42] : memref<10112x128xf32, #tpu.memory_space<vmem_shared>> -> memref<8x128xf32, #tpu.memory_space<vmem_shared>>
          tpu.enqueue_dma source(%arg10 : memref<8x128xf32, #tpu.memory_space<vmem>>) target(%dma_start3A_43 : memref<8x128xf32, #tpu.memory_space<vmem_shared>>) target_semaphore(%run_scoped3A : memref<!tpu.dma_semaphore, #tpu.memory_space<semaphore_mem>>)
          %dma_wait3A = arith.constant 0 : i32
          %dma_wait3A_44 = tpu.memref_slice %arg11[%add3A, %dma_wait3A] : memref<10112x128xf32, #tpu.memory_space<vmem_shared>> -> memref<8x128xf32, #tpu.memory_space<vmem_shared>>
          %dma_wait3A_45 = arith.constant 0 : i32
          %dma_wait3A_46 = tpu.memref_slice %arg11[%add3A, %dma_wait3A_45] : memref<10112x128xf32, #tpu.memory_space<vmem_shared>> -> memref<8x128xf32, #tpu.memory_space<vmem_shared>>
          tpu.wait_dma2 semaphore(%run_scoped3A : memref<!tpu.dma_semaphore, #tpu.memory_space<semaphore_mem>>) src(%arg10 : memref<8x128xf32, #tpu.memory_space<vmem>>) dst(%dma_wait3A_46 : memref<8x128xf32, #tpu.memory_space<vmem_shared>>)
          tpu.yield
        }) : () -> ()
      }
      %scan3A_19 = arith.constant 79 : i32
      %barrier3A = arith.constant 0 : index
      tpu.barrier barrier_id(%barrier3A)
      %dma_start3A = arith.constant 0 : i32
      %dma_start3A_20 = tpu.memref_slice %arg6[%dma_start3A] : memref<15488xi32, #tpu.memory_space<vmem>> -> memref<64xi32, #tpu.memory_space<vmem>>
      %dma_start3A_21 = arith.constant 0 : i32
      %dma_start3A_22 = arith.constant 0 : i32
      %dma_start3A_23 = tpu.memref_slice %arg2[%dma_start3A_21, %dma_start3A_22] : memref<10000x128xf32, #tpu.memory_space<hbm>> -> memref<10000x128xf32, #tpu.memory_space<hbm>>
      tpu.enqueue_indirect_dma source(%dma_start3A_23 : memref<10000x128xf32, #tpu.memory_space<hbm>>) target(%arg8 : memref<64x128xf32, #tpu.memory_space<vmem>>) offsets(%dma_start3A_20 : memref<64xi32, #tpu.memory_space<vmem>>) semaphore(%arg12 : memref<!tpu.dma_semaphore, #tpu.memory_space<semaphore_mem>>)
      %scan3A_24 = arith.constant 0 : i32
      %scan3A_25 = arith.constant 0 : i32
      %scan3A_26 = arith.constant 121 : i32
      %scan3A_27 = arith.addi %scan3A_25, %scan3A_26 : i32
      %scan3A_28 = arith.constant 1 : i32
      scf.for %scan3A_35 = %scan3A_25 to %scan3A_27 step %scan3A_28  : i32 {
        %mul3A_36 = arith.constant 2 : i32
        %mul3A_37 = arith.muli %mul3A_36, %scan3A_35 : i32
        %add3A = arith.constant 1 : i32
        %add3A_38 = arith.addi %mul3A_37, %add3A : i32
        %mul3A_39 = arith.constant 64 : i32
        %mul3A_40 = arith.muli %add3A_38, %mul3A_39 : i32
        %dma_start3A_41 = tpu.memref_slice %arg6[%mul3A_40] : memref<15488xi32, #tpu.memory_space<vmem>> -> memref<64xi32, #tpu.memory_space<vmem>>
        %dma_start3A_42 = arith.constant 0 : i32
        %dma_start3A_43 = arith.constant 0 : i32
        %dma_start3A_44 = tpu.memref_slice %arg2[%dma_start3A_42, %dma_start3A_43] : memref<10000x128xf32, #tpu.memory_space<hbm>> -> memref<10000x128xf32, #tpu.memory_space<hbm>>
        tpu.enqueue_indirect_dma source(%dma_start3A_44 : memref<10000x128xf32, #tpu.memory_space<hbm>>) target(%arg9 : memref<64x128xf32, #tpu.memory_space<vmem>>) offsets(%dma_start3A_41 : memref<64xi32, #tpu.memory_space<vmem>>) semaphore(%arg13 : memref<!tpu.dma_semaphore, #tpu.memory_space<semaphore_mem>>)
        %dma_wait3A = arith.constant 0 : i32
        %dma_wait3A_45 = tpu.memref_slice %arg6[%dma_wait3A] : memref<15488xi32, #tpu.memory_space<vmem>> -> memref<64xi32, #tpu.memory_space<vmem>>
        %dma_wait3A_46 = arith.constant 0 : i32
        %dma_wait3A_47 = arith.constant 0 : i32
        %dma_wait3A_48 = tpu.memref_slice %arg2[%dma_wait3A_46, %dma_wait3A_47] : memref<10000x128xf32, #tpu.memory_space<hbm>> -> memref<10000x128xf32, #tpu.memory_space<hbm>>
        tpu.wait_indirect_dma semaphore(%arg12 : memref<!tpu.dma_semaphore, #tpu.memory_space<semaphore_mem>>) src(%dma_wait3A_48 : memref<10000x128xf32, #tpu.memory_space<hbm>>) dst(%arg8 : memref<64x128xf32, #tpu.memory_space<vmem>>)
        %mul3A_49 = arith.constant 64 : i32
        %mul3A_50 = arith.muli %mul3A_37, %mul3A_49 : i32
        "tpu.region"() ({
          %run_scoped3A = tpu.sem_alloc : memref<!tpu.dma_semaphore, #tpu.memory_space<semaphore_mem>>
          %dma_start3A_66 = tpu.memref_slice %arg7[%mul3A_50] : memref<15488xi32, #tpu.memory_space<vmem>> -> memref<64xi32, #tpu.memory_space<vmem>>
          %dma_start3A_67 = arith.constant 0 : i32
          %dma_start3A_68 = arith.constant 0 : i32
          %dma_start3A_69 = tpu.memref_slice %arg11[%dma_start3A_67, %dma_start3A_68] : memref<10112x128xf32, #tpu.memory_space<vmem_shared>> -> memref<10112x128xf32, #tpu.memory_space<vmem_shared>>
          tpu.enqueue_indirect_dma source(%arg8 : memref<64x128xf32, #tpu.memory_space<vmem>>) target(%dma_start3A_69 : memref<10112x128xf32, #tpu.memory_space<vmem_shared>>) offsets(%dma_start3A_66 : memref<64xi32, #tpu.memory_space<vmem>>) semaphore(%run_scoped3A : memref<!tpu.dma_semaphore, #tpu.memory_space<semaphore_mem>>) {add = true}
          %dma_wait3A_70 = tpu.memref_slice %arg7[%mul3A_50] : memref<15488xi32, #tpu.memory_space<vmem>> -> memref<64xi32, #tpu.memory_space<vmem>>
          %dma_wait3A_71 = arith.constant 0 : i32
          %dma_wait3A_72 = arith.constant 0 : i32
          %dma_wait3A_73 = tpu.memref_slice %arg11[%dma_wait3A_71, %dma_wait3A_72] : memref<10112x128xf32, #tpu.memory_space<vmem_shared>> -> memref<10112x128xf32, #tpu.memory_space<vmem_shared>>
          tpu.wait_indirect_dma semaphore(%run_scoped3A : memref<!tpu.dma_semaphore, #tpu.memory_space<semaphore_mem>>) src(%arg8 : memref<64x128xf32, #tpu.memory_space<vmem>>) dst(%dma_wait3A_73 : memref<10112x128xf32, #tpu.memory_space<vmem_shared>>)
          tpu.yield
        }) : () -> ()
        %add3A_51 = arith.constant 2 : i32
        %add3A_52 = arith.addi %mul3A_37, %add3A_51 : i32
        %lt3A = arith.constant 242 : i32
        %lt3A_53 = arith.cmpi slt, %add3A_52, %lt3A : i32
        %convert_element_type3A_54 = arith.extui %lt3A_53 : i1 to i32
        %cond3A_55 = arith.constant 0 : i32
        %cond3A_56 = arith.cmpi ne, %convert_element_type3A_54, %cond3A_55 : i32
        scf.if %cond3A_56 {
          %add3A_66 = arith.constant 2 : i32
          %add3A_67 = arith.addi %mul3A_37, %add3A_66 : i32
          %mul3A_68 = arith.constant 64 : i32
          %mul3A_69 = arith.muli %add3A_67, %mul3A_68 : i32
          %dma_start3A_70 = tpu.memref_slice %arg6[%mul3A_69] : memref<15488xi32, #tpu.memory_space<vmem>> -> memref<64xi32, #tpu.memory_space<vmem>>
          %dma_start3A_71 = arith.constant 0 : i32
          %dma_start3A_72 = arith.constant 0 : i32
          %dma_start3A_73 = tpu.memref_slice %arg2[%dma_start3A_71, %dma_start3A_72] : memref<10000x128xf32, #tpu.memory_space<hbm>> -> memref<10000x128xf32, #tpu.memory_space<hbm>>
          tpu.enqueue_indirect_dma source(%dma_start3A_73 : memref<10000x128xf32, #tpu.memory_space<hbm>>) target(%arg8 : memref<64x128xf32, #tpu.memory_space<vmem>>) offsets(%dma_start3A_70 : memref<64xi32, #tpu.memory_space<vmem>>) semaphore(%arg12 : memref<!tpu.dma_semaphore, #tpu.memory_space<semaphore_mem>>)
        } else {
        }
        %dma_wait3A_57 = arith.constant 0 : i32
        %dma_wait3A_58 = tpu.memref_slice %arg6[%dma_wait3A_57] : memref<15488xi32, #tpu.memory_space<vmem>> -> memref<64xi32, #tpu.memory_space<vmem>>
        %dma_wait3A_59 = arith.constant 0 : i32
        %dma_wait3A_60 = arith.constant 0 : i32
        %dma_wait3A_61 = tpu.memref_slice %arg2[%dma_wait3A_59, %dma_wait3A_60] : memref<10000x128xf32, #tpu.memory_space<hbm>> -> memref<10000x128xf32, #tpu.memory_space<hbm>>
        tpu.wait_indirect_dma semaphore(%arg13 : memref<!tpu.dma_semaphore, #tpu.memory_space<semaphore_mem>>) src(%dma_wait3A_61 : memref<10000x128xf32, #tpu.memory_space<hbm>>) dst(%arg9 : memref<64x128xf32, #tpu.memory_space<vmem>>)
        %add3A_62 = arith.constant 1 : i32
        %add3A_63 = arith.addi %mul3A_37, %add3A_62 : i32
        %mul3A_64 = arith.constant 64 : i32
        %mul3A_65 = arith.muli %add3A_63, %mul3A_64 : i32
        "tpu.region"() ({
          %run_scoped3A = tpu.sem_alloc : memref<!tpu.dma_semaphore, #tpu.memory_space<semaphore_mem>>
          %dma_start3A_66 = tpu.memref_slice %arg7[%mul3A_65] : memref<15488xi32, #tpu.memory_space<vmem>> -> memref<64xi32, #tpu.memory_space<vmem>>
          %dma_start3A_67 = arith.constant 0 : i32
          %dma_start3A_68 = arith.constant 0 : i32
          %dma_start3A_69 = tpu.memref_slice %arg11[%dma_start3A_67, %dma_start3A_68] : memref<10112x128xf32, #tpu.memory_space<vmem_shared>> -> memref<10112x128xf32, #tpu.memory_space<vmem_shared>>
          tpu.enqueue_indirect_dma source(%arg9 : memref<64x128xf32, #tpu.memory_space<vmem>>) target(%dma_start3A_69 : memref<10112x128xf32, #tpu.memory_space<vmem_shared>>) offsets(%dma_start3A_66 : memref<64xi32, #tpu.memory_space<vmem>>) semaphore(%run_scoped3A : memref<!tpu.dma_semaphore, #tpu.memory_space<semaphore_mem>>) {add = true}
          %dma_wait3A_70 = tpu.memref_slice %arg7[%mul3A_65] : memref<15488xi32, #tpu.memory_space<vmem>> -> memref<64xi32, #tpu.memory_space<vmem>>
          %dma_wait3A_71 = arith.constant 0 : i32
          %dma_wait3A_72 = arith.constant 0 : i32
          %dma_wait3A_73 = tpu.memref_slice %arg11[%dma_wait3A_71, %dma_wait3A_72] : memref<10112x128xf32, #tpu.memory_space<vmem_shared>> -> memref<10112x128xf32, #tpu.memory_space<vmem_shared>>
          tpu.wait_indirect_dma semaphore(%run_scoped3A : memref<!tpu.dma_semaphore, #tpu.memory_space<semaphore_mem>>) src(%arg9 : memref<64x128xf32, #tpu.memory_space<vmem>>) dst(%dma_wait3A_73 : memref<10112x128xf32, #tpu.memory_space<vmem_shared>>)
          tpu.yield
        }) : () -> ()
      }
      %scan3A_29 = arith.constant 121 : i32
      %barrier3A_30 = arith.constant 0 : index
      tpu.barrier barrier_id(%barrier3A_30)
      %mul3A_31 = arith.constant 632 : i32
      %mul3A_32 = arith.muli %arg1, %mul3A_31 : i32
      %mul3A_33 = arith.constant 632 : i32
      %mul3A_34 = arith.muli %arg1, %mul3A_33 : i32
      "tpu.region"() ({
        %run_scoped3A = tpu.sem_alloc : memref<!tpu.dma_semaphore, #tpu.memory_space<semaphore_mem>>
        %dma_start3A_35 = arith.constant 0 : i32
        %dma_start3A_36 = tpu.memref_slice %arg5[%arg0, %mul3A_34, %dma_start3A_35] : memref<2x10112x128xf32, #tpu.memory_space<hbm>> -> memref<1x632x128xf32, #tpu.memory_space<hbm>>
        %dma_start3A_37 = tpu.memref_squeeze %dma_start3A_36 : memref<1x632x128xf32, #tpu.memory_space<hbm>> -> memref<632x128xf32, #tpu.memory_space<hbm>>
        %dma_start3A_38 = arith.constant 0 : i32
        %dma_start3A_39 = tpu.memref_slice %arg11[%mul3A_32, %dma_start3A_38] : memref<10112x128xf32, #tpu.memory_space<vmem_shared>> -> memref<632x128xf32, #tpu.memory_space<vmem_shared>>
        tpu.enqueue_dma source(%dma_start3A_39 : memref<632x128xf32, #tpu.memory_space<vmem_shared>>) target(%dma_start3A_37 : memref<632x128xf32, #tpu.memory_space<hbm>>) target_semaphore(%run_scoped3A : memref<!tpu.dma_semaphore, #tpu.memory_space<semaphore_mem>>)
        %dma_wait3A = arith.constant 0 : i32
        %dma_wait3A_40 = tpu.memref_slice %arg5[%arg0, %mul3A_34, %dma_wait3A] : memref<2x10112x128xf32, #tpu.memory_space<hbm>> -> memref<1x632x128xf32, #tpu.memory_space<hbm>>
        %dma_wait3A_41 = tpu.memref_squeeze %dma_wait3A_40 : memref<1x632x128xf32, #tpu.memory_space<hbm>> -> memref<632x128xf32, #tpu.memory_space<hbm>>
        %dma_wait3A_42 = arith.constant 0 : i32
        %dma_wait3A_43 = tpu.memref_slice %arg11[%mul3A_32, %dma_wait3A_42] : memref<10112x128xf32, #tpu.memory_space<vmem_shared>> -> memref<632x128xf32, #tpu.memory_space<vmem_shared>>
        tpu.wait_dma2 semaphore(%run_scoped3A : memref<!tpu.dma_semaphore, #tpu.memory_space<semaphore_mem>>) src(%dma_wait3A_43 : memref<632x128xf32, #tpu.memory_space<vmem_shared>>) dst(%dma_wait3A_41 : memref<632x128xf32, #tpu.memory_space<hbm>>)
        tpu.yield
      }) : () -> ()
    } else {
    }
    %eq3A_3 = arith.constant 1 : i32
    %eq3A_4 = arith.cmpi eq, %arg0, %eq3A_3 : i32
    %convert_element_type3A_5 = arith.extui %eq3A_4 : i1 to i32
    %cond3A_6 = arith.constant 0 : i32
    %cond3A_7 = arith.cmpi ne, %convert_element_type3A_5, %cond3A_6 : i32
    scf.if %cond3A_7 {
      %mul3A = arith.constant 4736 : i32
      %mul3A_8 = arith.muli %arg1, %mul3A : i32
      %add3A = arith.constant 247808 : i32
      %add3A_9 = arith.addi %add3A, %mul3A_8 : i32
      "tpu.region"() ({
        %run_scoped3A = tpu.sem_alloc : memref<!tpu.dma_semaphore, #tpu.memory_space<semaphore_mem>>
        %dma_start3A_36 = arith.constant 0 : i32
        %dma_start3A_37 = tpu.memref_slice %arg6[%dma_start3A_36] : memref<15488xi32, #tpu.memory_space<vmem>> -> memref<4736xi32, #tpu.memory_space<vmem>>
        %dma_start3A_38 = tpu.memref_slice %arg3[%add3A_9] : memref<323584xi32, #tpu.memory_space<hbm>> -> memref<4736xi32, #tpu.memory_space<hbm>>
        %dma_start3A_39 = arith.constant 0 : i32
        %dma_start3A_40 = tpu.memref_slice %arg6[%dma_start3A_39] : memref<15488xi32, #tpu.memory_space<vmem>> -> memref<4736xi32, #tpu.memory_space<vmem>>
        %dma_start3A_41 = tpu.memref_slice %arg3[%add3A_9] : memref<323584xi32, #tpu.memory_space<hbm>> -> memref<4736xi32, #tpu.memory_space<hbm>>
        tpu.enqueue_dma source(%dma_start3A_41 : memref<4736xi32, #tpu.memory_space<hbm>>) target(%dma_start3A_40 : memref<4736xi32, #tpu.memory_space<vmem>>) target_semaphore(%run_scoped3A : memref<!tpu.dma_semaphore, #tpu.memory_space<semaphore_mem>>)
        %dma_wait3A = arith.constant 0 : i32
        %dma_wait3A_42 = tpu.memref_slice %arg6[%dma_wait3A] : memref<15488xi32, #tpu.memory_space<vmem>> -> memref<4736xi32, #tpu.memory_space<vmem>>
        %dma_wait3A_43 = tpu.memref_slice %arg3[%add3A_9] : memref<323584xi32, #tpu.memory_space<hbm>> -> memref<4736xi32, #tpu.memory_space<hbm>>
        %dma_wait3A_44 = arith.constant 0 : i32
        %dma_wait3A_45 = tpu.memref_slice %arg6[%dma_wait3A_44] : memref<15488xi32, #tpu.memory_space<vmem>> -> memref<4736xi32, #tpu.memory_space<vmem>>
        %dma_wait3A_46 = tpu.memref_slice %arg3[%add3A_9] : memref<323584xi32, #tpu.memory_space<hbm>> -> memref<4736xi32, #tpu.memory_space<hbm>>
        tpu.wait_dma2 semaphore(%run_scoped3A : memref<!tpu.dma_semaphore, #tpu.memory_space<semaphore_mem>>) src(%dma_wait3A_46 : memref<4736xi32, #tpu.memory_space<hbm>>) dst(%dma_wait3A_45 : memref<4736xi32, #tpu.memory_space<vmem>>)
        tpu.yield
      }) : () -> ()
      "tpu.region"() ({
        %run_scoped3A = tpu.sem_alloc : memref<!tpu.dma_semaphore, #tpu.memory_space<semaphore_mem>>
        %dma_start3A_36 = arith.constant 0 : i32
        %dma_start3A_37 = tpu.memref_slice %arg7[%dma_start3A_36] : memref<15488xi32, #tpu.memory_space<vmem>> -> memref<4736xi32, #tpu.memory_space<vmem>>
        %dma_start3A_38 = tpu.memref_slice %arg4[%add3A_9] : memref<323584xi32, #tpu.memory_space<hbm>> -> memref<4736xi32, #tpu.memory_space<hbm>>
        %dma_start3A_39 = arith.constant 0 : i32
        %dma_start3A_40 = tpu.memref_slice %arg7[%dma_start3A_39] : memref<15488xi32, #tpu.memory_space<vmem>> -> memref<4736xi32, #tpu.memory_space<vmem>>
        %dma_start3A_41 = tpu.memref_slice %arg4[%add3A_9] : memref<323584xi32, #tpu.memory_space<hbm>> -> memref<4736xi32, #tpu.memory_space<hbm>>
        tpu.enqueue_dma source(%dma_start3A_41 : memref<4736xi32, #tpu.memory_space<hbm>>) target(%dma_start3A_40 : memref<4736xi32, #tpu.memory_space<vmem>>) target_semaphore(%run_scoped3A : memref<!tpu.dma_semaphore, #tpu.memory_space<semaphore_mem>>)
        %dma_wait3A = arith.constant 0 : i32
        %dma_wait3A_42 = tpu.memref_slice %arg7[%dma_wait3A] : memref<15488xi32, #tpu.memory_space<vmem>> -> memref<4736xi32, #tpu.memory_space<vmem>>
        %dma_wait3A_43 = tpu.memref_slice %arg4[%add3A_9] : memref<323584xi32, #tpu.memory_space<hbm>> -> memref<4736xi32, #tpu.memory_space<hbm>>
        %dma_wait3A_44 = arith.constant 0 : i32
        %dma_wait3A_45 = tpu.memref_slice %arg7[%dma_wait3A_44] : memref<15488xi32, #tpu.memory_space<vmem>> -> memref<4736xi32, #tpu.memory_space<vmem>>
        %dma_wait3A_46 = tpu.memref_slice %arg4[%add3A_9] : memref<323584xi32, #tpu.memory_space<hbm>> -> memref<4736xi32, #tpu.memory_space<hbm>>
        tpu.wait_dma2 semaphore(%run_scoped3A : memref<!tpu.dma_semaphore, #tpu.memory_space<semaphore_mem>>) src(%dma_wait3A_46 : memref<4736xi32, #tpu.memory_space<hbm>>) dst(%dma_wait3A_45 : memref<4736xi32, #tpu.memory_space<vmem>>)
        tpu.yield
      }) : () -> ()
      %scan3A = arith.constant 0 : i32
      %scan3A_10 = arith.constant 0 : i32
      %scan3A_11 = arith.constant 8 : i32
      %scan3A_12 = arith.addi %scan3A_10, %scan3A_11 : i32
      %scan3A_13 = arith.constant 1 : i32
      scf.for %scan3A_36 = %scan3A_10 to %scan3A_12 step %scan3A_13  : i32 {
        %swap3A = arith.index_cast %scan3A_36 : i32 to index
        %swap3A_37 = arith.constant 0 : index
        %swap3A_38 = tpu.vector_load %arg10[%swap3A, %swap3A_37] {strides = array<i32>} : memref<8x128xf32, #tpu.memory_space<vmem>>, vector<16xf32>,
        tpu.vector_store %arg10[%swap3A, %swap3A_37], %broadcast_in_dim3A_0 {strides = array<i32>} : memref<8x128xf32, #tpu.memory_space<vmem>>, vector<16xf32>,
        %swap3A_39 = arith.index_cast %scan3A_36 : i32 to index
        %swap3A_40 = arith.constant 16 : index
        %swap3A_41 = tpu.vector_load %arg10[%swap3A_39, %swap3A_40] {strides = array<i32>} : memref<8x128xf32, #tpu.memory_space<vmem>>, vector<16xf32>,
        tpu.vector_store %arg10[%swap3A_39, %swap3A_40], %broadcast_in_dim3A_0 {strides = array<i32>} : memref<8x128xf32, #tpu.memory_space<vmem>>, vector<16xf32>,
        %swap3A_42 = arith.index_cast %scan3A_36 : i32 to index
        %swap3A_43 = arith.constant 32 : index
        %swap3A_44 = tpu.vector_load %arg10[%swap3A_42, %swap3A_43] {strides = array<i32>} : memref<8x128xf32, #tpu.memory_space<vmem>>, vector<16xf32>,
        tpu.vector_store %arg10[%swap3A_42, %swap3A_43], %broadcast_in_dim3A_0 {strides = array<i32>} : memref<8x128xf32, #tpu.memory_space<vmem>>, vector<16xf32>,
        %swap3A_45 = arith.index_cast %scan3A_36 : i32 to index
        %swap3A_46 = arith.constant 48 : index
        %swap3A_47 = tpu.vector_load %arg10[%swap3A_45, %swap3A_46] {strides = array<i32>} : memref<8x128xf32, #tpu.memory_space<vmem>>, vector<16xf32>,
        tpu.vector_store %arg10[%swap3A_45, %swap3A_46], %broadcast_in_dim3A_0 {strides = array<i32>} : memref<8x128xf32, #tpu.memory_space<vmem>>, vector<16xf32>,
        %swap3A_48 = arith.index_cast %scan3A_36 : i32 to index
        %swap3A_49 = arith.constant 64 : index
        %swap3A_50 = tpu.vector_load %arg10[%swap3A_48, %swap3A_49] {strides = array<i32>} : memref<8x128xf32, #tpu.memory_space<vmem>>, vector<16xf32>,
        tpu.vector_store %arg10[%swap3A_48, %swap3A_49], %broadcast_in_dim3A_0 {strides = array<i32>} : memref<8x128xf32, #tpu.memory_space<vmem>>, vector<16xf32>,
        %swap3A_51 = arith.index_cast %scan3A_36 : i32 to index
        %swap3A_52 = arith.constant 80 : index
        %swap3A_53 = tpu.vector_load %arg10[%swap3A_51, %swap3A_52] {strides = array<i32>} : memref<8x128xf32, #tpu.memory_space<vmem>>, vector<16xf32>,
        tpu.vector_store %arg10[%swap3A_51, %swap3A_52], %broadcast_in_dim3A_0 {strides = array<i32>} : memref<8x128xf32, #tpu.memory_space<vmem>>, vector<16xf32>,
        %swap3A_54 = arith.index_cast %scan3A_36 : i32 to index
        %swap3A_55 = arith.constant 96 : index
        %swap3A_56 = tpu.vector_load %arg10[%swap3A_54, %swap3A_55] {strides = array<i32>} : memref<8x128xf32, #tpu.memory_space<vmem>>, vector<16xf32>,
        tpu.vector_store %arg10[%swap3A_54, %swap3A_55], %broadcast_in_dim3A_0 {strides = array<i32>} : memref<8x128xf32, #tpu.memory_space<vmem>>, vector<16xf32>,
        %swap3A_57 = arith.index_cast %scan3A_36 : i32 to index
        %swap3A_58 = arith.constant 112 : index
        %swap3A_59 = tpu.vector_load %arg10[%swap3A_57, %swap3A_58] {strides = array<i32>} : memref<8x128xf32, #tpu.memory_space<vmem>>, vector<16xf32>,
        tpu.vector_store %arg10[%swap3A_57, %swap3A_58], %broadcast_in_dim3A_0 {strides = array<i32>} : memref<8x128xf32, #tpu.memory_space<vmem>>, vector<16xf32>,
      }
      %scan3A_14 = arith.constant 8 : i32
      %scan3A_15 = arith.constant 0 : i32
      %scan3A_16 = arith.constant 0 : i32
      %scan3A_17 = arith.constant 79 : i32
      %scan3A_18 = arith.addi %scan3A_16, %scan3A_17 : i32
      %scan3A_19 = arith.constant 1 : i32
      scf.for %scan3A_36 = %scan3A_16 to %scan3A_18 step %scan3A_19  : i32 {
        %mul3A_37 = arith.constant 632 : i32
        %mul3A_38 = arith.muli %arg1, %mul3A_37 : i32
        %mul3A_39 = arith.constant 8 : i32
        %mul3A_40 = arith.muli %scan3A_36, %mul3A_39 : i32
        %add3A_41 = arith.addi %mul3A_38, %mul3A_40 : i32
        "tpu.region"() ({
          %run_scoped3A = tpu.sem_alloc : memref<!tpu.dma_semaphore, #tpu.memory_space<semaphore_mem>>
          %dma_start3A_42 = arith.constant 0 : i32
          %dma_start3A_43 = tpu.memref_slice %arg11[%add3A_41, %dma_start3A_42] : memref<10112x128xf32, #tpu.memory_space<vmem_shared>> -> memref<8x128xf32, #tpu.memory_space<vmem_shared>>
          %dma_start3A_44 = arith.constant 0 : i32
          %dma_start3A_45 = tpu.memref_slice %arg11[%add3A_41, %dma_start3A_44] : memref<10112x128xf32, #tpu.memory_space<vmem_shared>> -> memref<8x128xf32, #tpu.memory_space<vmem_shared>>
          tpu.enqueue_dma source(%arg10 : memref<8x128xf32, #tpu.memory_space<vmem>>) target(%dma_start3A_45 : memref<8x128xf32, #tpu.memory_space<vmem_shared>>) target_semaphore(%run_scoped3A : memref<!tpu.dma_semaphore, #tpu.memory_space<semaphore_mem>>)
          %dma_wait3A = arith.constant 0 : i32
          %dma_wait3A_46 = tpu.memref_slice %arg11[%add3A_41, %dma_wait3A] : memref<10112x128xf32, #tpu.memory_space<vmem_shared>> -> memref<8x128xf32, #tpu.memory_space<vmem_shared>>
          %dma_wait3A_47 = arith.constant 0 : i32
          %dma_wait3A_48 = tpu.memref_slice %arg11[%add3A_41, %dma_wait3A_47] : memref<10112x128xf32, #tpu.memory_space<vmem_shared>> -> memref<8x128xf32, #tpu.memory_space<vmem_shared>>
          tpu.wait_dma2 semaphore(%run_scoped3A : memref<!tpu.dma_semaphore, #tpu.memory_space<semaphore_mem>>) src(%arg10 : memref<8x128xf32, #tpu.memory_space<vmem>>) dst(%dma_wait3A_48 : memref<8x128xf32, #tpu.memory_space<vmem_shared>>)
          tpu.yield
        }) : () -> ()
      }
      %scan3A_20 = arith.constant 79 : i32
      %barrier3A = arith.constant 0 : index
      tpu.barrier barrier_id(%barrier3A)
      %dma_start3A = arith.constant 0 : i32
      %dma_start3A_21 = tpu.memref_slice %arg6[%dma_start3A] : memref<15488xi32, #tpu.memory_space<vmem>> -> memref<64xi32, #tpu.memory_space<vmem>>
      %dma_start3A_22 = arith.constant 0 : i32
      %dma_start3A_23 = arith.constant 0 : i32
      %dma_start3A_24 = tpu.memref_slice %arg2[%dma_start3A_22, %dma_start3A_23] : memref<10000x128xf32, #tpu.memory_space<hbm>> -> memref<10000x128xf32, #tpu.memory_space<hbm>>
      tpu.enqueue_indirect_dma source(%dma_start3A_24 : memref<10000x128xf32, #tpu.memory_space<hbm>>) target(%arg8 : memref<64x128xf32, #tpu.memory_space<vmem>>) offsets(%dma_start3A_21 : memref<64xi32, #tpu.memory_space<vmem>>) semaphore(%arg12 : memref<!tpu.dma_semaphore, #tpu.memory_space<semaphore_mem>>)
      %scan3A_25 = arith.constant 0 : i32
      %scan3A_26 = arith.constant 0 : i32
      %scan3A_27 = arith.constant 37 : i32
      %scan3A_28 = arith.addi %scan3A_26, %scan3A_27 : i32
      %scan3A_29 = arith.constant 1 : i32
      scf.for %scan3A_36 = %scan3A_26 to %scan3A_28 step %scan3A_29  : i32 {
        %mul3A_37 = arith.constant 2 : i32
        %mul3A_38 = arith.muli %mul3A_37, %scan3A_36 : i32
        %add3A_39 = arith.constant 1 : i32
        %add3A_40 = arith.addi %mul3A_38, %add3A_39 : i32
        %mul3A_41 = arith.constant 64 : i32
        %mul3A_42 = arith.muli %add3A_40, %mul3A_41 : i32
        %dma_start3A_43 = tpu.memref_slice %arg6[%mul3A_42] : memref<15488xi32, #tpu.memory_space<vmem>> -> memref<64xi32, #tpu.memory_space<vmem>>
        %dma_start3A_44 = arith.constant 0 : i32
        %dma_start3A_45 = arith.constant 0 : i32
        %dma_start3A_46 = tpu.memref_slice %arg2[%dma_start3A_44, %dma_start3A_45] : memref<10000x128xf32, #tpu.memory_space<hbm>> -> memref<10000x128xf32, #tpu.memory_space<hbm>>
        tpu.enqueue_indirect_dma source(%dma_start3A_46 : memref<10000x128xf32, #tpu.memory_space<hbm>>) target(%arg9 : memref<64x128xf32, #tpu.memory_space<vmem>>) offsets(%dma_start3A_43 : memref<64xi32, #tpu.memory_space<vmem>>) semaphore(%arg13 : memref<!tpu.dma_semaphore, #tpu.memory_space<semaphore_mem>>)
        %dma_wait3A = arith.constant 0 : i32
        %dma_wait3A_47 = tpu.memref_slice %arg6[%dma_wait3A] : memref<15488xi32, #tpu.memory_space<vmem>> -> memref<64xi32, #tpu.memory_space<vmem>>
        %dma_wait3A_48 = arith.constant 0 : i32
        %dma_wait3A_49 = arith.constant 0 : i32
        %dma_wait3A_50 = tpu.memref_slice %arg2[%dma_wait3A_48, %dma_wait3A_49] : memref<10000x128xf32, #tpu.memory_space<hbm>> -> memref<10000x128xf32, #tpu.memory_space<hbm>>
        tpu.wait_indirect_dma semaphore(%arg12 : memref<!tpu.dma_semaphore, #tpu.memory_space<semaphore_mem>>) src(%dma_wait3A_50 : memref<10000x128xf32, #tpu.memory_space<hbm>>) dst(%arg8 : memref<64x128xf32, #tpu.memory_space<vmem>>)
        %mul3A_51 = arith.constant 64 : i32
        %mul3A_52 = arith.muli %mul3A_38, %mul3A_51 : i32
        "tpu.region"() ({
          %run_scoped3A = tpu.sem_alloc : memref<!tpu.dma_semaphore, #tpu.memory_space<semaphore_mem>>
          %dma_start3A_68 = tpu.memref_slice %arg7[%mul3A_52] : memref<15488xi32, #tpu.memory_space<vmem>> -> memref<64xi32, #tpu.memory_space<vmem>>
          %dma_start3A_69 = arith.constant 0 : i32
          %dma_start3A_70 = arith.constant 0 : i32
          %dma_start3A_71 = tpu.memref_slice %arg11[%dma_start3A_69, %dma_start3A_70] : memref<10112x128xf32, #tpu.memory_space<vmem_shared>> -> memref<10112x128xf32, #tpu.memory_space<vmem_shared>>
          tpu.enqueue_indirect_dma source(%arg8 : memref<64x128xf32, #tpu.memory_space<vmem>>) target(%dma_start3A_71 : memref<10112x128xf32, #tpu.memory_space<vmem_shared>>) offsets(%dma_start3A_68 : memref<64xi32, #tpu.memory_space<vmem>>) semaphore(%run_scoped3A : memref<!tpu.dma_semaphore, #tpu.memory_space<semaphore_mem>>) {add = true}
          %dma_wait3A_72 = tpu.memref_slice %arg7[%mul3A_52] : memref<15488xi32, #tpu.memory_space<vmem>> -> memref<64xi32, #tpu.memory_space<vmem>>
          %dma_wait3A_73 = arith.constant 0 : i32
          %dma_wait3A_74 = arith.constant 0 : i32
          %dma_wait3A_75 = tpu.memref_slice %arg11[%dma_wait3A_73, %dma_wait3A_74] : memref<10112x128xf32, #tpu.memory_space<vmem_shared>> -> memref<10112x128xf32, #tpu.memory_space<vmem_shared>>
          tpu.wait_indirect_dma semaphore(%run_scoped3A : memref<!tpu.dma_semaphore, #tpu.memory_space<semaphore_mem>>) src(%arg8 : memref<64x128xf32, #tpu.memory_space<vmem>>) dst(%dma_wait3A_75 : memref<10112x128xf32, #tpu.memory_space<vmem_shared>>)
          tpu.yield
        }) : () -> ()
        %add3A_53 = arith.constant 2 : i32
        %add3A_54 = arith.addi %mul3A_38, %add3A_53 : i32
        %lt3A = arith.constant 74 : i32
        %lt3A_55 = arith.cmpi slt, %add3A_54, %lt3A : i32
        %convert_element_type3A_56 = arith.extui %lt3A_55 : i1 to i32
        %cond3A_57 = arith.constant 0 : i32
        %cond3A_58 = arith.cmpi ne, %convert_element_type3A_56, %cond3A_57 : i32
        scf.if %cond3A_58 {
          %add3A_68 = arith.constant 2 : i32
          %add3A_69 = arith.addi %mul3A_38, %add3A_68 : i32
          %mul3A_70 = arith.constant 64 : i32
          %mul3A_71 = arith.muli %add3A_69, %mul3A_70 : i32
          %dma_start3A_72 = tpu.memref_slice %arg6[%mul3A_71] : memref<15488xi32, #tpu.memory_space<vmem>> -> memref<64xi32, #tpu.memory_space<vmem>>
          %dma_start3A_73 = arith.constant 0 : i32
          %dma_start3A_74 = arith.constant 0 : i32
          %dma_start3A_75 = tpu.memref_slice %arg2[%dma_start3A_73, %dma_start3A_74] : memref<10000x128xf32, #tpu.memory_space<hbm>> -> memref<10000x128xf32, #tpu.memory_space<hbm>>
          tpu.enqueue_indirect_dma source(%dma_start3A_75 : memref<10000x128xf32, #tpu.memory_space<hbm>>) target(%arg8 : memref<64x128xf32, #tpu.memory_space<vmem>>) offsets(%dma_start3A_72 : memref<64xi32, #tpu.memory_space<vmem>>) semaphore(%arg12 : memref<!tpu.dma_semaphore, #tpu.memory_space<semaphore_mem>>)
        } else {
        }
        %dma_wait3A_59 = arith.constant 0 : i32
        %dma_wait3A_60 = tpu.memref_slice %arg6[%dma_wait3A_59] : memref<15488xi32, #tpu.memory_space<vmem>> -> memref<64xi32, #tpu.memory_space<vmem>>
        %dma_wait3A_61 = arith.constant 0 : i32
        %dma_wait3A_62 = arith.constant 0 : i32
        %dma_wait3A_63 = tpu.memref_slice %arg2[%dma_wait3A_61, %dma_wait3A_62] : memref<10000x128xf32, #tpu.memory_space<hbm>> -> memref<10000x128xf32, #tpu.memory_space<hbm>>
        tpu.wait_indirect_dma semaphore(%arg13 : memref<!tpu.dma_semaphore, #tpu.memory_space<semaphore_mem>>) src(%dma_wait3A_63 : memref<10000x128xf32, #tpu.memory_space<hbm>>) dst(%arg9 : memref<64x128xf32, #tpu.memory_space<vmem>>)
        %add3A_64 = arith.constant 1 : i32
        %add3A_65 = arith.addi %mul3A_38, %add3A_64 : i32
        %mul3A_66 = arith.constant 64 : i32
        %mul3A_67 = arith.muli %add3A_65, %mul3A_66 : i32
        "tpu.region"() ({
          %run_scoped3A = tpu.sem_alloc : memref<!tpu.dma_semaphore, #tpu.memory_space<semaphore_mem>>
          %dma_start3A_68 = tpu.memref_slice %arg7[%mul3A_67] : memref<15488xi32, #tpu.memory_space<vmem>> -> memref<64xi32, #tpu.memory_space<vmem>>
          %dma_start3A_69 = arith.constant 0 : i32
          %dma_start3A_70 = arith.constant 0 : i32
          %dma_start3A_71 = tpu.memref_slice %arg11[%dma_start3A_69, %dma_start3A_70] : memref<10112x128xf32, #tpu.memory_space<vmem_shared>> -> memref<10112x128xf32, #tpu.memory_space<vmem_shared>>
          tpu.enqueue_indirect_dma source(%arg9 : memref<64x128xf32, #tpu.memory_space<vmem>>) target(%dma_start3A_71 : memref<10112x128xf32, #tpu.memory_space<vmem_shared>>) offsets(%dma_start3A_68 : memref<64xi32, #tpu.memory_space<vmem>>) semaphore(%run_scoped3A : memref<!tpu.dma_semaphore, #tpu.memory_space<semaphore_mem>>) {add = true}
          %dma_wait3A_72 = tpu.memref_slice %arg7[%mul3A_67] : memref<15488xi32, #tpu.memory_space<vmem>> -> memref<64xi32, #tpu.memory_space<vmem>>
          %dma_wait3A_73 = arith.constant 0 : i32
          %dma_wait3A_74 = arith.constant 0 : i32
          %dma_wait3A_75 = tpu.memref_slice %arg11[%dma_wait3A_73, %dma_wait3A_74] : memref<10112x128xf32, #tpu.memory_space<vmem_shared>> -> memref<10112x128xf32, #tpu.memory_space<vmem_shared>>
          tpu.wait_indirect_dma semaphore(%run_scoped3A : memref<!tpu.dma_semaphore, #tpu.memory_space<semaphore_mem>>) src(%arg9 : memref<64x128xf32, #tpu.memory_space<vmem>>) dst(%dma_wait3A_75 : memref<10112x128xf32, #tpu.memory_space<vmem_shared>>)
          tpu.yield
        }) : () -> ()
      }
      %scan3A_30 = arith.constant 37 : i32
      %barrier3A_31 = arith.constant 0 : index
      tpu.barrier barrier_id(%barrier3A_31)
      %mul3A_32 = arith.constant 632 : i32
      %mul3A_33 = arith.muli %arg1, %mul3A_32 : i32
      %mul3A_34 = arith.constant 632 : i32
      %mul3A_35 = arith.muli %arg1, %mul3A_34 : i32
      "tpu.region"() ({
        %run_scoped3A = tpu.sem_alloc : memref<!tpu.dma_semaphore, #tpu.memory_space<semaphore_mem>>
        %dma_start3A_36 = arith.constant 0 : i32
        %dma_start3A_37 = tpu.memref_slice %arg5[%arg0, %mul3A_35, %dma_start3A_36] : memref<2x10112x128xf32, #tpu.memory_space<hbm>> -> memref<1x632x128xf32, #tpu.memory_space<hbm>>
        %dma_start3A_38 = tpu.memref_squeeze %dma_start3A_37 : memref<1x632x128xf32, #tpu.memory_space<hbm>> -> memref<632x128xf32, #tpu.memory_space<hbm>>
        %dma_start3A_39 = arith.constant 0 : i32
        %dma_start3A_40 = tpu.memref_slice %arg11[%mul3A_33, %dma_start3A_39] : memref<10112x128xf32, #tpu.memory_space<vmem_shared>> -> memref<632x128xf32, #tpu.memory_space<vmem_shared>>
        tpu.enqueue_dma source(%dma_start3A_40 : memref<632x128xf32, #tpu.memory_space<vmem_shared>>) target(%dma_start3A_38 : memref<632x128xf32, #tpu.memory_space<hbm>>) target_semaphore(%run_scoped3A : memref<!tpu.dma_semaphore, #tpu.memory_space<semaphore_mem>>)
        %dma_wait3A = arith.constant 0 : i32
        %dma_wait3A_41 = tpu.memref_slice %arg5[%arg0, %mul3A_35, %dma_wait3A] : memref<2x10112x128xf32, #tpu.memory_space<hbm>> -> memref<1x632x128xf32, #tpu.memory_space<hbm>>
        %dma_wait3A_42 = tpu.memref_squeeze %dma_wait3A_41 : memref<1x632x128xf32, #tpu.memory_space<hbm>> -> memref<632x128xf32, #tpu.memory_space<hbm>>
        %dma_wait3A_43 = arith.constant 0 : i32
        %dma_wait3A_44 = tpu.memref_slice %arg11[%mul3A_33, %dma_wait3A_43] : memref<10112x128xf32, #tpu.memory_space<vmem_shared>> -> memref<632x128xf32, #tpu.memory_space<vmem_shared>>
        tpu.wait_dma2 semaphore(%run_scoped3A : memref<!tpu.dma_semaphore, #tpu.memory_space<semaphore_mem>>) src(%dma_wait3A_44 : memref<632x128xf32, #tpu.memory_space<vmem_shared>>) dst(%dma_wait3A_42 : memref<632x128xf32, #tpu.memory_space<hbm>>)
        tpu.yield
      }) : () -> ()
    } else {
    }
    return
  }
}

#map = affine_map<(d0, d1) -> (0, 0, 0)>
#map1 = affine_map<(d0, d1) -> (0, 0)>
module attributes {stable_mosaic.version = 14 : i64} {
  func.func @deg_kernel(%arg0: i32, %arg1: i32, %arg2: memref<32x79x128xi32, #tpu.memory_space<hbm>>, %arg3: memref<32x10112xf32, #tpu.memory_space<hbm>>, %arg4: memref<79x128xi32, #tpu.memory_space<vmem>>, %arg5: memref<10112xf32, #tpu.memory_space<vmem>>) attributes {dimension_semantics = [#tpu.dimension_semantics<core_parallel>, #tpu.dimension_semantics<subcore_parallel>], iteration_bounds = array<i64: 2, 16>, scalar_prefetch = 0 : i64, scratch_operands = 2 : i64, tpu.core_type = #tpu.core_type<sc_vector_subcore>, window_params = [{transform_indices = #map}, {transform_indices = #map1}]} {
    %mul3A = arith.constant 2 : i32
    %mul3A_0 = arith.muli %arg1, %mul3A : i32
    %add3A = arith.addi %mul3A_0, %arg0 : i32
    "tpu.region"() ({
      %run_scoped3A = tpu.sem_alloc : memref<!tpu.dma_semaphore, #tpu.memory_space<semaphore_mem>>
      %dma_start3A = arith.constant 0 : i32
      %dma_start3A_15 = arith.constant 0 : i32
      %dma_start3A_16 = tpu.memref_slice %arg2[%add3A, %dma_start3A, %dma_start3A_15] : memref<32x79x128xi32, #tpu.memory_space<hbm>> -> memref<1x79x128xi32, #tpu.memory_space<hbm>>
      %dma_start3A_17 = tpu.memref_squeeze %dma_start3A_16 : memref<1x79x128xi32, #tpu.memory_space<hbm>> -> memref<79x128xi32, #tpu.memory_space<hbm>>
      %dma_start3A_18 = arith.constant 0 : i32
      %dma_start3A_19 = arith.constant 0 : i32
      %dma_start3A_20 = tpu.memref_slice %arg2[%add3A, %dma_start3A_18, %dma_start3A_19] : memref<32x79x128xi32, #tpu.memory_space<hbm>> -> memref<1x79x128xi32, #tpu.memory_space<hbm>>
      %dma_start3A_21 = tpu.memref_squeeze %dma_start3A_20 : memref<1x79x128xi32, #tpu.memory_space<hbm>> -> memref<79x128xi32, #tpu.memory_space<hbm>>
      tpu.enqueue_dma source(%dma_start3A_21 : memref<79x128xi32, #tpu.memory_space<hbm>>) target(%arg4 : memref<79x128xi32, #tpu.memory_space<vmem>>) target_semaphore(%run_scoped3A : memref<!tpu.dma_semaphore, #tpu.memory_space<semaphore_mem>>)
      %dma_wait3A = arith.constant 0 : i32
      %dma_wait3A_22 = arith.constant 0 : i32
      %dma_wait3A_23 = tpu.memref_slice %arg2[%add3A, %dma_wait3A, %dma_wait3A_22] : memref<32x79x128xi32, #tpu.memory_space<hbm>> -> memref<1x79x128xi32, #tpu.memory_space<hbm>>
      %dma_wait3A_24 = tpu.memref_squeeze %dma_wait3A_23 : memref<1x79x128xi32, #tpu.memory_space<hbm>> -> memref<79x128xi32, #tpu.memory_space<hbm>>
      %dma_wait3A_25 = arith.constant 0 : i32
      %dma_wait3A_26 = arith.constant 0 : i32
      %dma_wait3A_27 = tpu.memref_slice %arg2[%add3A, %dma_wait3A_25, %dma_wait3A_26] : memref<32x79x128xi32, #tpu.memory_space<hbm>> -> memref<1x79x128xi32, #tpu.memory_space<hbm>>
      %dma_wait3A_28 = tpu.memref_squeeze %dma_wait3A_27 : memref<1x79x128xi32, #tpu.memory_space<hbm>> -> memref<79x128xi32, #tpu.memory_space<hbm>>
      tpu.wait_dma2 semaphore(%run_scoped3A : memref<!tpu.dma_semaphore, #tpu.memory_space<semaphore_mem>>) src(%dma_wait3A_28 : memref<79x128xi32, #tpu.memory_space<hbm>>) dst(%arg4 : memref<79x128xi32, #tpu.memory_space<vmem>>)
      tpu.yield
    }) : () -> ()
    %broadcast_in_dim3A = arith.constant 0.000000e+00 : f32
    %broadcast_in_dim3A_1 = vector.broadcast %broadcast_in_dim3A : f32 to vector<16xf32>
    %broadcast_in_dim3A_2 = arith.constant 1.000000e+00 : f32
    %broadcast_in_dim3A_3 = vector.broadcast %broadcast_in_dim3A_2 : f32 to vector<16xf32>
    %scan3A = arith.constant 0 : i32
    %scan3A_4 = arith.constant 0 : i32
    %scan3A_5 = arith.constant 632 : i32
    %scan3A_6 = arith.addi %scan3A_4, %scan3A_5 : i32
    %scan3A_7 = arith.constant 1 : i32
    scf.for %scan3A_15 = %scan3A_4 to %scan3A_6 step %scan3A_7  : i32 {
      %mul3A_16 = arith.constant 16 : i32
      %mul3A_17 = arith.muli %scan3A_15, %mul3A_16 : i32
      %swap3A = arith.index_cast %mul3A_17 : i32 to index
      %swap3A_18 = tpu.vector_load %arg5[%swap3A] {strides = array<i32>} : memref<10112xf32, #tpu.memory_space<vmem>>, vector<16xf32>,
      tpu.vector_store %arg5[%swap3A], %broadcast_in_dim3A_1 {strides = array<i32>} : memref<10112xf32, #tpu.memory_space<vmem>>, vector<16xf32>,
    }
    %scan3A_8 = arith.constant 632 : i32
    %scan3A_9 = arith.constant 0 : i32
    %scan3A_10 = arith.constant 0 : i32
    %scan3A_11 = arith.constant 79 : i32
    %scan3A_12 = arith.addi %scan3A_10, %scan3A_11 : i32
    %scan3A_13 = arith.constant 1 : i32
    scf.for %scan3A_15 = %scan3A_10 to %scan3A_12 step %scan3A_13  : i32 {
      %get3A = arith.index_cast %scan3A_15 : i32 to index
      %get3A_16 = arith.constant 0 : index
      %get3A_17 = tpu.vector_load %arg4[%get3A, %get3A_16] {strides = array<i32>} : memref<79x128xi32, #tpu.memory_space<vmem>>, vector<16xi32>,
      tpu.vector_store_idx %arg5[%get3A_17], %broadcast_in_dim3A_3 {add = true} : memref<10112xf32, #tpu.memory_space<vmem>>[vector<16xi32>], vector<16xf32>,
      %get3A_18 = arith.index_cast %scan3A_15 : i32 to index
      %get3A_19 = arith.constant 16 : index
      %get3A_20 = tpu.vector_load %arg4[%get3A_18, %get3A_19] {strides = array<i32>} : memref<79x128xi32, #tpu.memory_space<vmem>>, vector<16xi32>,
      tpu.vector_store_idx %arg5[%get3A_20], %broadcast_in_dim3A_3 {add = true} : memref<10112xf32, #tpu.memory_space<vmem>>[vector<16xi32>], vector<16xf32>,
      %get3A_21 = arith.index_cast %scan3A_15 : i32 to index
      %get3A_22 = arith.constant 32 : index
      %get3A_23 = tpu.vector_load %arg4[%get3A_21, %get3A_22] {strides = array<i32>} : memref<79x128xi32, #tpu.memory_space<vmem>>, vector<16xi32>,
      tpu.vector_store_idx %arg5[%get3A_23], %broadcast_in_dim3A_3 {add = true} : memref<10112xf32, #tpu.memory_space<vmem>>[vector<16xi32>], vector<16xf32>,
      %get3A_24 = arith.index_cast %scan3A_15 : i32 to index
      %get3A_25 = arith.constant 48 : index
      %get3A_26 = tpu.vector_load %arg4[%get3A_24, %get3A_25] {strides = array<i32>} : memref<79x128xi32, #tpu.memory_space<vmem>>, vector<16xi32>,
      tpu.vector_store_idx %arg5[%get3A_26], %broadcast_in_dim3A_3 {add = true} : memref<10112xf32, #tpu.memory_space<vmem>>[vector<16xi32>], vector<16xf32>,
      %get3A_27 = arith.index_cast %scan3A_15 : i32 to index
      %get3A_28 = arith.constant 64 : index
      %get3A_29 = tpu.vector_load %arg4[%get3A_27, %get3A_28] {strides = array<i32>} : memref<79x128xi32, #tpu.memory_space<vmem>>, vector<16xi32>,
      tpu.vector_store_idx %arg5[%get3A_29], %broadcast_in_dim3A_3 {add = true} : memref<10112xf32, #tpu.memory_space<vmem>>[vector<16xi32>], vector<16xf32>,
      %get3A_30 = arith.index_cast %scan3A_15 : i32 to index
      %get3A_31 = arith.constant 80 : index
      %get3A_32 = tpu.vector_load %arg4[%get3A_30, %get3A_31] {strides = array<i32>} : memref<79x128xi32, #tpu.memory_space<vmem>>, vector<16xi32>,
      tpu.vector_store_idx %arg5[%get3A_32], %broadcast_in_dim3A_3 {add = true} : memref<10112xf32, #tpu.memory_space<vmem>>[vector<16xi32>], vector<16xf32>,
      %get3A_33 = arith.index_cast %scan3A_15 : i32 to index
      %get3A_34 = arith.constant 96 : index
      %get3A_35 = tpu.vector_load %arg4[%get3A_33, %get3A_34] {strides = array<i32>} : memref<79x128xi32, #tpu.memory_space<vmem>>, vector<16xi32>,
      tpu.vector_store_idx %arg5[%get3A_35], %broadcast_in_dim3A_3 {add = true} : memref<10112xf32, #tpu.memory_space<vmem>>[vector<16xi32>], vector<16xf32>,
      %get3A_36 = arith.index_cast %scan3A_15 : i32 to index
      %get3A_37 = arith.constant 112 : index
      %get3A_38 = tpu.vector_load %arg4[%get3A_36, %get3A_37] {strides = array<i32>} : memref<79x128xi32, #tpu.memory_space<vmem>>, vector<16xi32>,
      tpu.vector_store_idx %arg5[%get3A_38], %broadcast_in_dim3A_3 {add = true} : memref<10112xf32, #tpu.memory_space<vmem>>[vector<16xi32>], vector<16xf32>,
    }
    %scan3A_14 = arith.constant 79 : i32
    "tpu.region"() ({
      %run_scoped3A = tpu.sem_alloc : memref<!tpu.dma_semaphore, #tpu.memory_space<semaphore_mem>>
      %dma_start3A = arith.constant 0 : i32
      %dma_start3A_15 = tpu.memref_slice %arg3[%add3A, %dma_start3A] : memref<32x10112xf32, #tpu.memory_space<hbm>> -> memref<1x10112xf32, #tpu.memory_space<hbm>>
      %dma_start3A_16 = tpu.memref_squeeze %dma_start3A_15 : memref<1x10112xf32, #tpu.memory_space<hbm>> -> memref<10112xf32, #tpu.memory_space<hbm>>
      %dma_start3A_17 = arith.constant 0 : i32
      %dma_start3A_18 = tpu.memref_slice %arg3[%add3A, %dma_start3A_17] : memref<32x10112xf32, #tpu.memory_space<hbm>> -> memref<1x10112xf32, #tpu.memory_space<hbm>>
      %dma_start3A_19 = tpu.memref_squeeze %dma_start3A_18 : memref<1x10112xf32, #tpu.memory_space<hbm>> -> memref<10112xf32, #tpu.memory_space<hbm>>
      tpu.enqueue_dma source(%arg5 : memref<10112xf32, #tpu.memory_space<vmem>>) target(%dma_start3A_19 : memref<10112xf32, #tpu.memory_space<hbm>>) target_semaphore(%run_scoped3A : memref<!tpu.dma_semaphore, #tpu.memory_space<semaphore_mem>>)
      %dma_wait3A = arith.constant 0 : i32
      %dma_wait3A_20 = tpu.memref_slice %arg3[%add3A, %dma_wait3A] : memref<32x10112xf32, #tpu.memory_space<hbm>> -> memref<1x10112xf32, #tpu.memory_space<hbm>>
      %dma_wait3A_21 = tpu.memref_squeeze %dma_wait3A_20 : memref<1x10112xf32, #tpu.memory_space<hbm>> -> memref<10112xf32, #tpu.memory_space<hbm>>
      %dma_wait3A_22 = arith.constant 0 : i32
      %dma_wait3A_23 = tpu.memref_slice %arg3[%add3A, %dma_wait3A_22] : memref<32x10112xf32, #tpu.memory_space<hbm>> -> memref<1x10112xf32, #tpu.memory_space<hbm>>
      %dma_wait3A_24 = tpu.memref_squeeze %dma_wait3A_23 : memref<1x10112xf32, #tpu.memory_space<hbm>> -> memref<10112xf32, #tpu.memory_space<hbm>>
      tpu.wait_dma2 semaphore(%run_scoped3A : memref<!tpu.dma_semaphore, #tpu.memory_space<semaphore_mem>>) src(%arg5 : memref<10112xf32, #tpu.memory_space<vmem>>) dst(%dma_wait3A_24 : memref<10112xf32, #tpu.memory_space<hbm>>)
      tpu.yield
    }) : () -> ()
    return
  }
}

module attributes {stable_mosaic.version = 14 : i64} {
  func.func @kfn(%arg0: memref<32x10112xf32, #tpu.memory_space<vmem>>, %arg1: memref<1x10112xf32, #tpu.memory_space<vmem>>) attributes {dimension_semantics = [], scalar_prefetch = 0 : i64, scratch_operands = 0 : i64, tpu.core_type = #tpu.core_type<tc>} {
    %get3A = arith.constant 0 : index
    %get3A_0 = arith.constant 0 : index
    %get3A_1 = vector.load %arg0[%get3A, %get3A_0] : memref<32x10112xf32, #tpu.memory_space<vmem>>, vector<32x10112xf32>
    %reduce_sum3A = arith.constant dense<0.000000e+00> : vector<10112xf32>
    %reduce_sum3A_2 = vector.multi_reduction <add>, %get3A_1, %reduce_sum3A [0] : vector<32x10112xf32> to vector<10112xf32>
    %broadcast_in_dim3A = vector.shape_cast %reduce_sum3A_2 : vector<10112xf32> to vector<1x10112xf32>
    %add3A = arith.constant 1.000000e+00 : f32
    %add3A_3 = vector.broadcast %add3A : f32 to vector<1x10112xf32>
    %add3A_4 = arith.addf %broadcast_in_dim3A, %add3A_3 : vector<1x10112xf32>
    %rsqrt3A = math.rsqrt %add3A_4 : vector<1x10112xf32>
    %swap3A = arith.constant 0 : index
    %swap3A_5 = arith.constant 0 : index
    %swap3A_6 = vector.load %arg1[%swap3A, %swap3A_5] : memref<1x10112xf32, #tpu.memory_space<vmem>>, vector<1x10112xf32>
    tpu.vector_store %arg1[%swap3A, %swap3A_5], %rsqrt3A {strides = array<i32>} : memref<1x10112xf32, #tpu.memory_space<vmem>>, vector<1x10112xf32>,
    return
  }
}

module attributes {stable_mosaic.version = 14 : i64} {
  func.func @kfn(%arg0: i32, %arg1: memref<1000x128xf32, #tpu.memory_space<vmem>>, %arg2: memref<128x128xf32, #tpu.memory_space<vmem>>, %arg3: memref<1000x1xf32, #tpu.memory_space<vmem>>, %arg4: memref<1000x128xf32, #tpu.memory_space<vmem>>) attributes {dimension_semantics = [#tpu.dimension_semantics<arbitrary>], iteration_bounds = array<i64: 10>, scalar_prefetch = 0 : i64, scratch_operands = 0 : i64, tpu.core_type = #tpu.core_type<tc>, window_params = [{transform_indices = @transform_0, window_bounds = array<i64: 1000, 128>}, {pipeline_mode = #tpu.pipeline_mode<synchronous>, transform_indices = @transform_1, window_bounds = array<i64: 128, 128>}, {transform_indices = @transform_2, window_bounds = array<i64: 1000, 1>}, {transform_indices = @transform_3, window_bounds = array<i64: 1000, 128>}]} {
    %get3A = arith.constant 0 : index
    %get3A_0 = arith.constant 0 : index
    %get3A_1 = vector.load %arg1[%get3A, %get3A_0] : memref<1000x128xf32, #tpu.memory_space<vmem>>, vector<1000x128xf32>
    %get3A_2 = arith.constant 0 : index
    %get3A_3 = arith.constant 0 : index
    %get3A_4 = vector.load %arg2[%get3A_2, %get3A_3] : memref<128x128xf32, #tpu.memory_space<vmem>>, vector<128x128xf32>
    %dot_general3A = arith.constant dense<0.000000e+00> : vector<1000x128xf32>
    %dot_general3A_5 = tpu.matmul %get3A_1, %get3A_4, %dot_general3A {dimension_numbers = #tpu.dot_dimension_numbers<[1], [0], [0], [1], [0, 0, 1, 1], [], []>, transpose_lhs_hint = false} : vector<1000x128xf32>, vector<128x128xf32>, vector<1000x128xf32> -> vector<1000x128xf32>
    %get3A_6 = arith.constant 0 : index
    %get3A_7 = arith.constant 0 : index
    %get3A_8 = vector.load %arg3[%get3A_6, %get3A_7] : memref<1000x1xf32, #tpu.memory_space<vmem>>, vector<1000x1xf32>
    %mul3A = vector.broadcast %get3A_8 : vector<1000x1xf32> to vector<1000x128xf32>
    %mul3A_9 = arith.mulf %dot_general3A_5, %mul3A : vector<1000x128xf32>
    %swap3A = arith.constant 0 : index
    %swap3A_10 = arith.constant 0 : index
    %swap3A_11 = vector.load %arg4[%swap3A, %swap3A_10] : memref<1000x128xf32, #tpu.memory_space<vmem>>, vector<1000x128xf32>
    tpu.vector_store %arg4[%swap3A, %swap3A_10], %mul3A_9 {strides = array<i32>} : memref<1000x128xf32, #tpu.memory_space<vmem>>, vector<1000x128xf32>,
    return
  }
  func.func @transform_0(%arg0: i32) -> (i32, i32) {
    %c0_i32 = arith.constant 0 : i32
    %c0_i32_0 = arith.constant 0 : i32
    return %arg0, %c0_i32 : i32, i32
  }
  func.func @transform_1(%arg0: i32) -> (i32, i32) {
    %c0_i32 = arith.constant 0 : i32
    %c0_i32_0 = arith.constant 0 : i32
    %c0_i32_1 = arith.constant 0 : i32
    return %c0_i32, %c0_i32_0 : i32, i32
  }
  func.func @transform_2(%arg0: i32) -> (i32, i32) {
    %c0_i32 = arith.constant 0 : i32
    %c0_i32_0 = arith.constant 0 : i32
    return %arg0, %c0_i32 : i32, i32
  }
  func.func @transform_3(%arg0: i32) -> (i32, i32) {
    %c0_i32 = arith.constant 0 : i32
    %c0_i32_0 = arith.constant 0 : i32
    return %arg0, %c0_i32 : i32, i32
  }
}

module attributes {stable_mosaic.version = 14 : i64} {
  func.func @kfn(%arg0: i32, %arg1: memref<1x1000x128xf32, #tpu.memory_space<vmem>>, %arg2: memref<1x1000x128xf32, #tpu.memory_space<vmem>>, %arg3: memref<1000x128xf32, #tpu.memory_space<vmem>>, %arg4: memref<1000x1xf32, #tpu.memory_space<vmem>>, %arg5: memref<1x128xf32, #tpu.memory_space<vmem>>, %arg6: memref<128x128xf32, #tpu.memory_space<vmem>>, %arg7: memref<1000x128xf32, #tpu.memory_space<vmem>>, %arg8: memref<1000x128xf32, #tpu.memory_space<vmem>>) attributes {dimension_semantics = [#tpu.dimension_semantics<arbitrary>], iteration_bounds = array<i64: 10>, scalar_prefetch = 0 : i64, scratch_operands = 0 : i64, tpu.core_type = #tpu.core_type<tc>, window_params = [{transform_indices = @transform_0, window_bounds = array<i64: 1, 1000, 128>}, {transform_indices = @transform_1, window_bounds = array<i64: 1, 1000, 128>}, {transform_indices = @transform_2, window_bounds = array<i64: 1000, 128>}, {transform_indices = @transform_3, window_bounds = array<i64: 1000, 1>}, {pipeline_mode = #tpu.pipeline_mode<synchronous>, transform_indices = @transform_4, window_bounds = array<i64: 1, 128>}, {pipeline_mode = #tpu.pipeline_mode<synchronous>, transform_indices = @transform_5, window_bounds = array<i64: 128, 128>}, {transform_indices = @transform_6, window_bounds = array<i64: 1000, 128>}, {transform_indices = @transform_7, window_bounds = array<i64: 1000, 128>}]} {
    %get3A = arith.constant 0 : index
    %get3A_0 = arith.constant 0 : index
    %get3A_1 = arith.constant 0 : index
    %get3A_2 = vector.load %arg1[%get3A, %get3A_0, %get3A_1] : memref<1x1000x128xf32, #tpu.memory_space<vmem>>, vector<1x1000x128xf32>
    %get3A_3 = vector.shape_cast %get3A_2 : vector<1x1000x128xf32> to vector<1000x128xf32>
    %get3A_4 = arith.constant 0 : index
    %get3A_5 = arith.constant 0 : index
    %get3A_6 = arith.constant 0 : index
    %get3A_7 = vector.load %arg2[%get3A_4, %get3A_5, %get3A_6] : memref<1x1000x128xf32, #tpu.memory_space<vmem>>, vector<1x1000x128xf32>
    %get3A_8 = vector.shape_cast %get3A_7 : vector<1x1000x128xf32> to vector<1000x128xf32>
    %add3A = arith.addf %get3A_3, %get3A_8 : vector<1000x128xf32>
    %get3A_9 = arith.constant 0 : index
    %get3A_10 = arith.constant 0 : index
    %get3A_11 = vector.load %arg3[%get3A_9, %get3A_10] : memref<1000x128xf32, #tpu.memory_space<vmem>>, vector<1000x128xf32>
    %add3A_12 = arith.addf %add3A, %get3A_11 : vector<1000x128xf32>
    %get3A_13 = arith.constant 0 : index
    %get3A_14 = arith.constant 0 : index
    %get3A_15 = vector.load %arg4[%get3A_13, %get3A_14] : memref<1000x1xf32, #tpu.memory_space<vmem>>, vector<1000x1xf32>
    %mul3A = vector.broadcast %get3A_15 : vector<1000x1xf32> to vector<1000x128xf32>
    %mul3A_16 = arith.mulf %add3A_12, %mul3A : vector<1000x128xf32>
    %get3A_17 = arith.constant 0 : index
    %get3A_18 = arith.constant 0 : index
    %get3A_19 = vector.load %arg5[%get3A_17, %get3A_18] : memref<1x128xf32, #tpu.memory_space<vmem>>, vector<1x128xf32>
    %add3A_20 = vector.broadcast %get3A_19 : vector<1x128xf32> to vector<1000x128xf32>
    %add3A_21 = arith.addf %mul3A_16, %add3A_20 : vector<1000x128xf32>
    %swap3A = arith.constant 0 : index
    %swap3A_22 = arith.constant 0 : index
    %swap3A_23 = vector.load %arg7[%swap3A, %swap3A_22] : memref<1000x128xf32, #tpu.memory_space<vmem>>, vector<1000x128xf32>
    tpu.vector_store %arg7[%swap3A, %swap3A_22], %add3A_21 {strides = array<i32>} : memref<1000x128xf32, #tpu.memory_space<vmem>>, vector<1000x128xf32>,
    %max3A = arith.constant 0.000000e+00 : f32
    %max3A_24 = vector.broadcast %max3A : f32 to vector<1000x128xf32>
    %max3A_25 = arith.maximumf %add3A_21, %max3A_24 : vector<1000x128xf32>
    %get3A_26 = arith.constant 0 : index
    %get3A_27 = arith.constant 0 : index
    %get3A_28 = vector.load %arg6[%get3A_26, %get3A_27] : memref<128x128xf32, #tpu.memory_space<vmem>>, vector<128x128xf32>
    %dot_general3A = arith.constant dense<0.000000e+00> : vector<1000x128xf32>
    %dot_general3A_29 = tpu.matmul %max3A_25, %get3A_28, %dot_general3A {dimension_numbers = #tpu.dot_dimension_numbers<[1], [0], [0], [1], [0, 0, 1, 1], [], []>, transpose_lhs_hint = false} : vector<1000x128xf32>, vector<128x128xf32>, vector<1000x128xf32> -> vector<1000x128xf32>
    %get3A_30 = arith.constant 0 : index
    %get3A_31 = arith.constant 0 : index
    %get3A_32 = vector.load %arg4[%get3A_30, %get3A_31] : memref<1000x1xf32, #tpu.memory_space<vmem>>, vector<1000x1xf32>
    %mul3A_33 = vector.broadcast %get3A_32 : vector<1000x1xf32> to vector<1000x128xf32>
    %mul3A_34 = arith.mulf %dot_general3A_29, %mul3A_33 : vector<1000x128xf32>
    %swap3A_35 = arith.constant 0 : index
    %swap3A_36 = arith.constant 0 : index
    %swap3A_37 = vector.load %arg8[%swap3A_35, %swap3A_36] : memref<1000x128xf32, #tpu.memory_space<vmem>>, vector<1000x128xf32>
    tpu.vector_store %arg8[%swap3A_35, %swap3A_36], %mul3A_34 {strides = array<i32>} : memref<1000x128xf32, #tpu.memory_space<vmem>>, vector<1000x128xf32>,
    return
  }
  func.func @transform_0(%arg0: i32) -> (i32, i32, i32) {
    %c0_i32 = arith.constant 0 : i32
    %c0_i32_0 = arith.constant 0 : i32
    %c0_i32_1 = arith.constant 0 : i32
    return %c0_i32, %arg0, %c0_i32_0 : i32, i32, i32
  }
  func.func @transform_1(%arg0: i32) -> (i32, i32, i32) {
    %c1_i32 = arith.constant 1 : i32
    %c0_i32 = arith.constant 0 : i32
    %c0_i32_0 = arith.constant 0 : i32
    return %c1_i32, %arg0, %c0_i32 : i32, i32, i32
  }
  func.func @transform_2(%arg0: i32) -> (i32, i32) {
    %c0_i32 = arith.constant 0 : i32
    %c0_i32_0 = arith.constant 0 : i32
    return %arg0, %c0_i32 : i32, i32
  }
  func.func @transform_3(%arg0: i32) -> (i32, i32) {
    %c0_i32 = arith.constant 0 : i32
    %c0_i32_0 = arith.constant 0 : i32
    return %arg0, %c0_i32 : i32, i32
  }
  func.func @transform_4(%arg0: i32) -> (i32, i32) {
    %c0_i32 = arith.constant 0 : i32
    %c0_i32_0 = arith.constant 0 : i32
    %c0_i32_1 = arith.constant 0 : i32
    return %c0_i32, %c0_i32_0 : i32, i32
  }
  func.func @transform_5(%arg0: i32) -> (i32, i32) {
    %c0_i32 = arith.constant 0 : i32
    %c0_i32_0 = arith.constant 0 : i32
    %c0_i32_1 = arith.constant 0 : i32
    return %c0_i32, %c0_i32_0 : i32, i32
  }
  func.func @transform_6(%arg0: i32) -> (i32, i32) {
    %c0_i32 = arith.constant 0 : i32
    %c0_i32_0 = arith.constant 0 : i32
    return %arg0, %c0_i32 : i32, i32
  }
  func.func @transform_7(%arg0: i32) -> (i32, i32) {
    %c0_i32 = arith.constant 0 : i32
    %c0_i32_0 = arith.constant 0 : i32
    return %arg0, %c0_i32 : i32, i32
  }
}

</mosaic_0001>

<sc_bundles>
// kernel: closed_call.12.cloned.1.call-start
scs
__scs_entry_jumppad:
0x0: {  	(pc) =	sbr.rel $0x88, $3  }
0x1: {  	(tag) =	ssettag $0x0;
	lr =	simm.s32 $0x1  }
0x2: {  	[smem:$0x3F99] =	sst lr;
	_ =	strace $0xD0000000  }
0x3: {  	_ = 	snop  }
0x4: {  	_ = 	snop  }
0x5: {  	_ = 	snop  }
0x6: {  	_ = 	snop  }
0x7: {  	_ = 	snop  }
__scs_overlays_trampoline_lowered:
0x8: {  	[smem:$0x3FA8] =	sst s0  }
0x9: {  	[smem:$0x3FA9] =	sst s1  }
0xa: {  	[smem:$0x3FAA] =	sst s2  }
0xb: {  	[smem:$0x3FAB] =	sst s3  }
0xc: {  	[smem:$0x3FAC] =	sst s4  }
0xd: {  	[smem:$0x3FAD] =	sst s5  }
0xe: {  	[smem:$0x3FAE] =	sst s6  }
0xf: {  	[smem:$0x3FAF] =	sst s7  }
0x10: {  	[smem:$0x3FB0] =	sst s8  }
0x11: {  	[smem:$0x3FB1] =	sst s9;
	s0 =	simm.s32 @!p0 $0x0  }
0x12: {  	s1 =	sld [smem:$0x3F97];
	s0 =	simm.s32 @p0 $0x1  }
0x13: {  	[smem:$0x3FB2] =	sst s0;
	s0 =	simm.s32 @!p1 $0x0  }
0x14: {  	s2 =	sld [smem:$0x3F96];
	s0 =	simm.s32 @p1 $0x1  }
0x15: {  	[smem:$0x3FB3] =	sst s0;
	s0 =	simm.s32 @!p2 $0x0  }
0x16: {  	s3 =	sld [smem:$0x3FDB];
	s0 =	simm.s32 @p2 $0x1  }
0x17: {  	s4 =	simm.s32 $0x1BF5;
	[smem:$0x3FB5] =	sst s0  }
0x18: {  	s0 =	sld [smem:$0x3F98];
	_ =	swait.ge [sflag:s4], $0x0  }
0x19: {  	s7 =	sld [smem:$0x3F99]  }
0x1a: {  	s8 =	sadd.s32 $0xFFFFE003, lr  }
0x1b: {  	s9 =	sadd.s32 $0xFFFFFEF7, lr;
	s5 =	simm.s32 $0xFFFFFFFF;
	p2 =	slt.u32 s8, $0xFFFFF086  }
0x1c: {  	p1 =	slt.u32 s9, $0xF7A;
	s5 =	simm.s32 @!p2 $0x0  }
0x1d: {  	s5 =	simm.s32 @p1 $0x1;
	p0 =	seq.s32 s7, s2  }
0x1e: {  	s7 =	smul.u32 @!p0 $0xF7A, s2;
	p2 =	seq.s32 @!p0 s5, $0x0  }
0x1f: {  	s9 =	smul.u32 $0xF7A, s1;
	s8 =	simm.s32 @!p0 $0x1BF5;
	p2 =	por !p2, p0  }
0x20: {  	[sflag:s8] =	ssyncset.s32 @!p0 $0xFFFFF086;
	s6 =	sadd.s32 @!p0 s3, s7;
	s7 =	simm.s32 @!p0 $0x108  }
0x21: {  	s3 =	sadd.s32 s3, s9;
	s6 =	sadd.s32 @!p0 $0x88, s6;
	s7 =	simm.s32 @p2 $0x1082  }
0x22: {  	[simem:s7], [sflag:s8] =	dma.local @!p0 [hbm:s6], $0xF7A  }
0x23: {  	s9 =	sor.u32 $0xD0000000, s2;
	s6 =	simm.s32 $0x108;
	_ =	swait.ge @!p0 [sflag:s8], $0x0  }
0x24: {  	s3 =	sadd.s32 $0x88, s3;
	s6 =	simm.s32 @!p1 $0x1082;
	[sflag:s4] =	ssyncset.s32 $0xFFFFF086  }
0x25: {  	[simem:s6], [sflag:s4] =	dma.local [hbm:s3], $0xF7A  }
0x26: {  	[smem:$0x3F99] =	sst s1;
	(tag) =	ssettag s2;
	_ =	strace s9  }
0x27: {  	s1 =	sld [smem:$0x3FA9]  }
0x28: {  	s2 =	sld [smem:$0x3FAA]  }
0x29: {  	s4 =	sld [smem:$0x3FAC]  }
0x2a: {  	p0 =	seq.s32 s5, $0x0;
	s5 =	sld [smem:$0x3FAD]  }
0x2b: {  	s6 =	sld [smem:$0x3FAE]  }
0x2c: {  	s7 =	sld [smem:$0x3FAF]  }
0x2d: {  	s3 =	simm.s32 $0x108;
	s8 =	sld [smem:$0x3FB0]  }
0x2e: {  	s3 =	simm.s32 @!p0 $0x1082;
	s9 =	sld [smem:$0x3FB1]  }
0x2f: {  	lr =	sadd.s32 s0, s3;
	s0 =	sld [smem:$0x3FA8]  }
0x30: {  	s3 =	sld [smem:$0x3FAB]  }
0x31: {  	[smem:$0x3FB4] =	sst s10  }
0x32: {  	s10 =	sld [smem:$0x3FB2];
	_ =	sdelay $0x3  }
0x33: {  	p0 =	seq.s32 s10, $0x1;
	s10 =	sld [smem:$0x3FB4];
	_ =	sdelay $0x3  }
0x34: {  	[smem:$0x3FB4] =	sst s10  }
0x35: {  	s10 =	sld [smem:$0x3FB3];
	_ =	sdelay $0x3  }
0x36: {  	p1 =	seq.s32 s10, $0x1;
	s10 =	sld [smem:$0x3FB4];
	_ =	sdelay $0x3  }
0x37: {  	[smem:$0x3FB4] =	sst s10  }
0x38: {  	s10 =	sld [smem:$0x3FB5]  }
0x39: {  	_ = 	snop;
	(pc) =	sbr.ind lr, $3  }
0x3a: {  	_ = 	snop  }
0x3b: {  	_ = 	snop  }
0x3c: {  	p2 =	seq.s32 s10, $0x1;
	s10 =	sld [smem:$0x3FB4]  }
0x3d: {  	_ =	shalt  }
0x3e: {  	_ =	shalt  }
0x3f: {  	_ =	shalt  }
0x40: {  	_ =	shalt  }
0x41: {  	_ =	shalt  }
0x42: {  	_ =	shalt  }
0x43: {  	_ =	shalt  }
0x44: {  	_ =	shalt  }
0x45: {  	_ =	shalt  }
0x46: {  	_ =	shalt  }
0x47: {  	_ =	shalt  }
0x48: {  	_ =	shalt  }
0x49: {  	_ =	shalt  }
0x4a: {  	_ =	shalt  }
0x4b: {  	_ =	shalt  }
0x4c: {  	_ =	shalt  }
0x4d: {  	_ =	shalt  }
0x4e: {  	_ =	shalt  }
0x4f: {  	_ =	shalt  }
0x50: {  	_ =	shalt  }
0x51: {  	_ =	shalt  }
0x52: {  	_ =	shalt  }
0x53: {  	_ =	shalt  }
0x54: {  	_ =	shalt  }
0x55: {  	_ =	shalt  }
0x56: {  	_ =	shalt  }
0x57: {  	_ =	shalt  }
0x58: {  	_ =	shalt  }
0x59: {  	_ =	shalt  }
0x5a: {  	_ =	shalt  }
0x5b: {  	_ =	shalt  }
0x5c: {  	_ =	shalt  }
0x5d: {  	_ =	shalt  }
0x5e: {  	_ =	shalt  }
0x5f: {  	_ =	shalt  }
0x60: {  	_ =	shalt  }
0x61: {  	_ =	shalt  }
0x62: {  	_ =	shalt  }
0x63: {  	_ =	shalt  }
0x64: {  	_ =	shalt  }
0x65: {  	_ =	shalt  }
0x66: {  	_ =	shalt  }
0x67: {  	_ =	shalt  }
0x68: {  	_ =	shalt  }
0x69: {  	_ =	shalt  }
0x6a: {  	_ =	shalt  }
0x6b: {  	_ =	shalt  }
0x6c: {  	_ =	shalt  }
0x6d: {  	_ =	shalt  }
0x6e: {  	_ =	shalt  }
0x6f: {  	_ =	shalt  }
0x70: {  	_ =	shalt  }
0x71: {  	_ =	shalt  }
0x72: {  	_ =	shalt  }
0x73: {  	_ =	shalt  }
0x74: {  	_ =	shalt  }
0x75: {  	_ =	shalt  }
0x76: {  	_ =	shalt  }
0x77: {  	_ =	shalt  }
0x78: {  	_ =	shalt  }
0x79: {  	_ =	shalt  }
0x7a: {  	_ =	shalt  }
0x7b: {  	_ =	shalt  }
0x7c: {  	_ =	shalt  }
0x7d: {  	_ =	shalt  }
0x7e: {  	_ =	shalt  }
0x7f: {  	_ =	shalt  }
0x80: {  	_ =	shalt  }
0x81: {  	_ =	shalt  }
0x82: {  	_ =	shalt  }
0x83: {  	_ =	shalt  }
0x84: {  	_ =	shalt  }
0x85: {  	_ =	shalt  }
0x86: {  	_ =	shalt  }
0x87: {  	_ =	shalt  }
.Lfunc_end0:
.L_simem_size_0:
called_computation_lowered:
.L_overlay_start_0:
0x88: {  	s2 =	sld [smem:$0x3FD9]  }
0x89: {  	s3 =	sld [smem:$0x3FFE];
	_ =	sdelay $0x1  }
0x8a: {  	s1 =	srdreg.scid  }
0x8b: {  	s0 =	sand.u32 $0x1, s1  }
0x8c: {  	s17 =	sshll.u32 s0, $0xA;
	s2 =	sadd.s32 s3, s2  }
0x8d: {  	s2 =	sadd.s32 s2, s17  }
0x8e: {  	[smem:$0x3FC0] =	sst s2  }
0x8f: {  	_ = 	snop  }
0x90: {  	s2 =	sld [smem:$0x3FD0];
	(tm) =	ssettm $0x1  }
0x91: {  	s18 =	sld [smem:$0x3FFB];
	_ =	sdelay $0x3  }
0x92: {  	_ =	strace s18  }
0x93: {  	s3 =	sld [smem:$0x3FFC];
	_ =	sdelay $0x3  }
0x94: {  	_ =	strace s3  }
0x95: {  	s3 =	sld [smem:$0x3FFD];
	_ =	sdelay $0x3  }
0x96: {  	_ =	strace s3  }
0x97: {  	_ =	strace $0x8FFFFFFF  }
0x98: {  	s19 =	sld [smem:$0x3FDB];
	_ =	sdelay $0x1  }
0x99: {  	s4 =	simm.s32 $_scs_section_size  }
0x9a: {  	s5 =	simm.s32 $_size__tile_overlayer_lowered;
	s6 =	simm.s32 $_tile_overlayer_lowered  }
0x9b: {  	s22 =	simm.s32 $0x1BFF;
	s21 =	sshll.u32 s6, $0x1;
	s3 =	sadd.s32 s4, s19  }
0x9c: {  	s7 =	simm.s32 $0x0;
	s20 =	sshll.u32 s5, $0x1;
	s5 =	sadd.s32 s21, s3  }
0x9d: {  	[timem:s7], [sflag:s22] =	dma.local [hbm:s5], s20  }
0x9e: {  	_ =	swait.ge [sflag:s22], s20  }
0x9f: {  	s4 =	ssub.s32 $0x0, s20;
	[sflag:s22] =	ssyncset.done $0x0  }
0xa0: {  	[sflag:s22] =	ssyncadd.s32 s4;
	_ =	sdelay $0x1  }
0xa1: {  	s23 =	simm.s32 $0x1B8B  }
0xa2: {  	_ =	swait.ge [sflag:s23], $0x1  }
0xa3: {  	[sflag:s23] =	ssyncset.done $0x0  }
0xa4: {  	s25 =	simm.s32 $0x1B8E;
	s24 =	sld [smem:$0x3FFE];
	[sflag:s23] =	ssyncadd.s32 $0xFFFFFFFF  }
0xa5: {  	s26 =	simm.s32 $execute0_lowered;
	[smem:$0x3FD2] =	sst s25  }
0xa6: {  	s5 =	sshll.u32 s26, $0x1;
	_ =	strace $0x80000049;
	[dreg:$0x1] =	wrdreg $0xFFFFFFFF  }
0xa7: {  	s28 =	simm.s32 $_size_execute0_lowered;
	s3 =	sadd.s32 s3, s5;
	[dreg:$0x0] =	wrdreg $0x0  }
0xa8: {  	s5 =	sshll.u32 s28, $0x1;
	[dreg:$0x2] =	wrdreg s3  }
0xa9: {  	[dreg:$0x3] =	wrdreg s5  }
0xaa: {  	[dreg:$0x4] =	wrdreg $0xC0  }
0xab: {  	_ =	task [dreg:s7], $0x5FFFF  }
0xac: {  	[dreg:$0x1] =	wrdreg $0xFFFFFFFF  }
0xad: {  	[dreg:$0x0] =	wrdreg $0x60  }
0xae: {  	[dreg:$0x2] =	wrdreg s2  }
0xaf: {  	[dreg:$0x3] =	wrdreg s24  }
0xb0: {  	[dreg:$0x4] =	wrdreg $0xBD000  }
0xb1: {  	[dreg:$0x5] =	wrdreg $0x9  }
0xb2: {  	_ =	task.clear_ibuf [dreg:s7], $0x6FFFF;
	_ =	strace $0x90000049  }
0xb3: {  	s29 =	simm.s32 $0x9;
	_ =	strace $0x8000004B  }
0xb4: {  	_ =	swait.ge [sflag:s29], $0x1  }
0xb5: {  	[sflag:s29] =	ssyncadd.s32 $0xFFFFFFFF  }
0xb6: {  	_ =	strace $0x9000004B  }
0xb7: {  	_ =	sfence  }
0xb8: {  	s30 =	sld [smem:$0x0];
	_ =	sdelay $0x2  }
0xb9: {  	s31 =	sshll.u32 s1, $0xD;
	s1 =	sshrl.u32 s1, $0x2  }
0xba: {  	s3 =	sand.u32 $0x4000, s31;
	s1 =	sadd.s32 s1, s30  }
0xbb: {  	s0 =	sor.u32 s3, s0;
	s1 =	sshll.u32 s1, $0x11  }
0xbc: {  	s0 =	sor.u32 s1, s0  }
0xbd: {  	s0 =	sadd.s32 $0x8F2B, s0  }
0xbe: {  	[sflag:s0] =	ssyncadd.remote.s32 $0x1  }
0xbf: {  	_ =	sfence.sel $0xFFFF  }
0xc0: {  	[dreg:$0x0] =	wrdreg $0xFFFFFFFF;
	(pc) =	sbr.abs _section_cstart, $3  }
0xc1: {  	[dreg:$0x1] =	wrdreg $0xFFFFFFFF  }
0xc2: {  	_ =	task.clear_ibuf [dreg:s7], $0x2FFFF;
	_ =	strace $0x9FFFFFFF  }
0xc3: {  	(tm) =	ssettm $0x7FFFFFFF  }
tec
execute0_lowered:
.L_overlay_start_1:
0x0: {  	(tag) =	ssettag $0x1  }
0x1: {  	s1 =	rddreg [dreg:$0x0]  }
0x2: {  	s5 =	rddreg [dreg:$0x1]  }
0x3: {  	s2 =	rddreg [dreg:$0x2]  }
0x4: {  	s0 =	rddreg [dreg:$0x3];
	s3 =	simm.s32 $0x0;
	s6 =	srdreg.scid  }
0x5: {  	s4 =	stileid.u32;
	s15 =	simm.s32 $0x3C80;
	s16 =	simm.s32 $0xB900  }
0x6: {  	s17 =	simm.s32 $0x40;
	s18 =	simm.s32 $0x7900;
	s19 =	simm.s32 $0x9900  }
0x7: {  	s20 =	simm.s32 $0x1;
	s21 =	simm.s32 $0x2;
	s8 =	smul.u32 $0x790, s4  }
0x8: {  	[smem:$0x7FF] =	sst s3;
	s10 =	sadd.s32 $0xDC00, s5;
	s12 =	smul.u32 $0x4F000, s4  }
0x9: {  	s6 =	sand.u32 $0x1, s6;
	s11 =	sadd.s32 $0x2400, s5;
	s30 =	smul.u32 $0x1280, s4  }
0xa: {  	s5 =	sadd.s32 $0x17A00, s5;
	s14 =	smul.u32 $0x13C00, s4;
	s7 =	ssub.s32 $0x2, s6  }
0xb: {  	_ =	strace $0x8000004A;
	p0 =	seq.s32 s6, $0x1;
	s9 =	sshrl.u32 s7, $0x1  }
.Ltmp0:
0xc: {  	s6 =	sadd.s32 s10, s8;
	s12 =	sshrl.u32 s12, $0x2;
	(pc) =	sbr.rel .LBB2_1-.Ltmp0, $4  }
0xd: {  	s31 =	sshrl.u32 s30, $0x3;
	s14 =	sshrl.u32 s14, $0x3;
	s13 =	ssub.s32 s7, s9  }
0xe: {  	s7 =	sadd.s32 s11, s8;
	s8 =	sadd.s32 s12, s2;
	s12 =	sadd.s32 $0x7900, s31  }
0xf: {  	s9 =	smul.u32 $0x2780, s4;
	s10 =	sadd.s32 s10, s12;
	s11 =	sadd.s32 s11, s12  }
0x10: {  	v0 =	vimm.f32 $0.0e+00;
	s12 =	sadd.s32 $0x27800, s14;
	s13 =	smax.u32 s13, $0x1;
	s14 =	simm.s32 $0x3  }
.LBB2_7:
0x11: {  	s23 =	sadd.s32 $0x40, s22;
	[sflag:s14] =	ssyncadd.s32 @p1 $0xFFFFE000  }
0x12: {  	[tilespmem:s19], [sflag:$0x2] =	stream.indirect.gather [hbm4b:s1+s17], $0x80, s23, s17, $0xb8;
	[tilespmem:$0x1F900] =	vst v63  }
0x13: {  	_ =	swait.ge [sflag:s20], $0x2000  }
0x14: {  	[sflag:s20] =	ssyncset.done $0x0  }
0x15: {  	s29 =	sadd.s32 $0x3C80, s22;
	[sflag:s20] =	ssyncadd.s32 $0xFFFFE000  }
0x16: {  	[spmem:s2] =	stream.indirect.scatter.add.f32 [tilespmem:s18], [sflag:$0x3], $0x80, s29, s17, $0xb8;
	[tilespmem:$0x1F900] =	vst v63  }
0x17: {  	_ =	swait.ge [sflag:s14], $0x2000  }
0x18: {  	[sflag:s14] =	ssyncset.done $0x0  }
0x19: {  	s30 =	sadd.s32 $0x80, s22;
	[sflag:s14] =	ssyncadd.s32 $0xFFFFE000  }
0x1a: {  	[tilespmem:s18], [sflag:$0x1] =	stream.indirect.gather [hbm4b:s1+s17], $0x80, s30, s17, $0xb8;
	[tilespmem:$0x1F900] =	vst v63  }
0x1b: {  	_ =	swait.ge [sflag:s21], $0x2000  }
0x1c: {  	[sflag:s21] =	ssyncset.done $0x0  }
0x1d: {  	s31 =	sadd.s32 $0x3CC0, s22;
	[sflag:s21] =	ssyncadd.s32 $0xFFFFE000  }
0x1e: {  	[spmem:s2] =	stream.indirect.scatter.add.f32 [tilespmem:s19], [sflag:$0x3], $0x80, s31, s17, $0xb8;
	[tilespmem:$0x1F900] =	vst v63  }
0x1f: {  	_ =	swait.ge [sflag:s14], $0x2000  }
0x20: {  	s22 =	simm.s32 $0x78C0;
	s24 =	simm.s32 $0x7880;
	[sflag:s14] =	ssyncset.done $0x0  }
0x21: {  	s25 =	simm.s32 $0x3C40;
	s23 =	smov.u32 s9;
	[sflag:s14] =	ssyncadd.s32 $0xFFFFE000  }
.LBB2_13:
0x22: {  	[tilespmem:s19], [sflag:$0x2] =	stream.indirect.gather [hbm4b:s1+s17], $0x80, s25, s17, $0xb8;
	[tilespmem:$0x1F900] =	vst v63  }
0x23: {  	_ =	swait.ge [sflag:s20], $0x2000  }
0x24: {  	[sflag:s20] =	ssyncset.done $0x0  }
0x25: {  	[sflag:s20] =	ssyncadd.s32 $0xFFFFE000  }
0x26: {  	[spmem:s2] =	stream.indirect.scatter.add.f32 [tilespmem:s18], [sflag:$0x3], $0x80, s24, s17, $0xb8;
	[tilespmem:$0x1F900] =	vst v63  }
0x27: {  	_ =	swait.ge [sflag:s14], $0x2000  }
0x28: {  	[sflag:s14] =	ssyncset.done $0x0  }
0x29: {  	[sflag:s14] =	ssyncadd.s32 $0xFFFFE000  }
0x2a: {  	_ =	swait.ge [sflag:s21], $0x2000  }
0x2b: {  	[sflag:s21] =	ssyncset.done $0x0  }
0x2c: {  	[sflag:s21] =	ssyncadd.s32 $0xFFFFE000  }
0x2d: {  	[spmem:s2] =	stream.indirect.scatter.add.f32 [tilespmem:s19], [sflag:$0x3], $0x80, s22, s17, $0xb8;
	[tilespmem:$0x1F900] =	vst v63  }
0x2e: {  	s29 =	sadd.s32 s5, s23;
	_ =	swait.ge [sflag:s14], $0x2000  }
0x2f: {  	s30 =	sshll.u32 s4, $0x6;
	s3 =	sadd.s32 $0x1, s3;
	[sflag:s14] =	ssyncset.done $0x0  }
0x30: {  	s31 =	sshrl.u32 s8, $0x3;
	p1 =	sne.s32 s3, s13;
	[sflag:s14] =	ssyncadd.s32 $0xFFFFE000  }
.Ltmp1:
0x31: {  	s23 =	sor.u32 $0x1C03, s30;
	[bflag:$0x0] =	sbarrier.arrive $0xFFFF;
	(pc) =	sbr.rel @!p1 .LBB2_14-.Ltmp1, $4  }
0x32: {  	[hbm:s29], [sflag:s23] =	dma.local [spmem:s31], $0x2780  }
0x33: {  	_ =	swait.ge [sflag:s14], $0x2780  }
0x34: {  	[sflag:s14] =	ssyncset.done $0x0  }
0x35: {  	[sflag:s14] =	ssyncadd.s32 $0xFFFFD880  }
.LBB2_1:
.Ltmp2:
0x36: {  	(pc) =	sbr.rel @!p0 .LBB2_2-.Ltmp2, $2  }
0x37: {  	_ =	sdelay $0x2  }
0x38: {  	s22 =	simm.s32 $0x0  }
0x39: {  	[tilespmem:s22], [sflag:$0x3] =	stream.linear.gather [hbm4b:s10+s22], $0x1280, $0x38;
	[tilespmem:$0x1F900] =	vst v63  }
0x3a: {  	_ =	swait.ge [sflag:s14], $0x1280  }
0x3b: {  	[sflag:s14] =	ssyncset.done $0x0  }
0x3c: {  	[sflag:s14] =	ssyncadd.s32 $0xFFFFED80  }
0x3d: {  	[tilespmem:s15], [sflag:$0x3] =	stream.linear.gather [hbm4b:s11+s22], $0x1280, $0x38;
	[tilespmem:$0x1F900] =	vst v63  }
0x3e: {  	_ =	swait.ge [sflag:s14], $0x1280  }
0x3f: {  	[sflag:s14] =	ssyncset.done $0x0  }
0x40: {  	[sflag:s14] =	ssyncadd.s32 $0xFFFFED80  }
0x41: {  	[tilespmem:$0xB900] =	vst v0  }
0x42: {  	[tilespmem:$0xB910] =	vst v0  }
0x43: {  	[tilespmem:$0xB920] =	vst v0  }
0x44: {  	[tilespmem:$0xB930] =	vst v0  }
0x45: {  	[tilespmem:$0xB940] =	vst v0  }
0x46: {  	[tilespmem:$0xB950] =	vst v0  }
0x47: {  	[tilespmem:$0xB960] =	vst v0  }
0x48: {  	[tilespmem:$0xB970] =	vst v0  }
0x49: {  	[tilespmem:$0xB980] =	vst v0  }
0x4a: {  	[tilespmem:$0xB990] =	vst v0  }
0x4b: {  	[tilespmem:$0xB9A0] =	vst v0  }
0x4c: {  	[tilespmem:$0xB9B0] =	vst v0  }
0x4d: {  	[tilespmem:$0xB9C0] =	vst v0  }
0x4e: {  	[tilespmem:$0xB9D0] =	vst v0  }
0x4f: {  	[tilespmem:$0xB9E0] =	vst v0  }
0x50: {  	[tilespmem:$0xB9F0] =	vst v0  }
0x51: {  	[tilespmem:$0xBA00] =	vst v0  }
0x52: {  	[tilespmem:$0xBA10] =	vst v0  }
0x53: {  	[tilespmem:$0xBA20] =	vst v0  }
0x54: {  	[tilespmem:$0xBA30] =	vst v0  }
0x55: {  	[tilespmem:$0xBA40] =	vst v0  }
0x56: {  	[tilespmem:$0xBA50] =	vst v0  }
0x57: {  	[tilespmem:$0xBA60] =	vst v0  }
0x58: {  	[tilespmem:$0xBA70] =	vst v0  }
0x59: {  	[tilespmem:$0xBA80] =	vst v0  }
0x5a: {  	[tilespmem:$0xBA90] =	vst v0  }
0x5b: {  	[tilespmem:$0xBAA0] =	vst v0  }
0x5c: {  	[tilespmem:$0xBAB0] =	vst v0  }
0x5d: {  	[tilespmem:$0xBAC0] =	vst v0  }
0x5e: {  	[tilespmem:$0xBAD0] =	vst v0  }
0x5f: {  	[tilespmem:$0xBAE0] =	vst v0  }
0x60: {  	[tilespmem:$0xBAF0] =	vst v0  }
0x61: {  	[tilespmem:$0xBB00] =	vst v0  }
0x62: {  	[tilespmem:$0xBB10] =	vst v0  }
0x63: {  	[tilespmem:$0xBB20] =	vst v0  }
0x64: {  	[tilespmem:$0xBB30] =	vst v0  }
0x65: {  	[tilespmem:$0xBB40] =	vst v0  }
0x66: {  	[tilespmem:$0xBB50] =	vst v0  }
0x67: {  	[tilespmem:$0xBB60] =	vst v0  }
0x68: {  	[tilespmem:$0xBB70] =	vst v0  }
0x69: {  	[tilespmem:$0xBB80] =	vst v0  }
0x6a: {  	[tilespmem:$0xBB90] =	vst v0  }
0x6b: {  	[tilespmem:$0xBBA0] =	vst v0  }
0x6c: {  	[tilespmem:$0xBBB0] =	vst v0  }
0x6d: {  	[tilespmem:$0xBBC0] =	vst v0  }
0x6e: {  	[tilespmem:$0xBBD0] =	vst v0  }
0x6f: {  	[tilespmem:$0xBBE0] =	vst v0  }
0x70: {  	[tilespmem:$0xBBF0] =	vst v0  }
0x71: {  	[tilespmem:$0xBC00] =	vst v0  }
0x72: {  	[tilespmem:$0xBC10] =	vst v0  }
0x73: {  	[tilespmem:$0xBC20] =	vst v0  }
0x74: {  	[tilespmem:$0xBC30] =	vst v0  }
0x75: {  	[tilespmem:$0xBC40] =	vst v0  }
0x76: {  	[tilespmem:$0xBC50] =	vst v0  }
0x77: {  	[tilespmem:$0xBC60] =	vst v0  }
0x78: {  	[tilespmem:$0xBC70] =	vst v0  }
0x79: {  	[tilespmem:$0xBC80] =	vst v0  }
0x7a: {  	[tilespmem:$0xBC90] =	vst v0  }
0x7b: {  	[tilespmem:$0xBCA0] =	vst v0  }
0x7c: {  	[tilespmem:$0xBCB0] =	vst v0  }
0x7d: {  	[tilespmem:$0xBCC0] =	vst v0  }
0x7e: {  	[tilespmem:$0xBCD0] =	vst v0  }
0x7f: {  	[tilespmem:$0xBCE0] =	vst v0  }
0x80: {  	s31 =	sadd.s32 $0x0, s8;
	[tilespmem:$0xBCF0] =	vst v0  }
0x81: {  	[spmem:s31] =	stream.linear.scatter [tilespmem:s16], [sflag:$0x3], $0x400, $0x38;
	[tilespmem:$0x1F900] =	vst v63  }
0x82: {  	s22 =	simm.s32 $0x1000;
	_ =	swait.ge [sflag:s14], $0x400  }
.LBB2_9:
0x83: {  	s23 =	sshra.s32 s22, $0x2;
	[sflag:s14] =	ssyncset.done $0x0;
	p1 =	sne.s32 s22, $0x4E000  }
.Ltmp3:
0x84: {  	s23 =	sadd.s32 s23, s8;
	[sflag:s14] =	ssyncadd.s32 $0xFFFFFC00;
	(pc) =	sbr.rel @p1 .LBB2_9-.Ltmp3, $3  }
0x85: {  	[spmem:s23] =	stream.linear.scatter [tilespmem:s16], [sflag:$0x3], $0x400, $0x38;
	[tilespmem:$0x1F900] =	vst v63  }
0x86: {  	s22 =	sadd.s32 $0x1000, s22;
	_ =	sdelay $0x1  }
0x87: {  	_ =	swait.ge [sflag:s14], $0x400  }
0x88: {  	[sflag:s14] =	ssyncset.done $0x0  }
0x89: {  	[sflag:s14] =	ssyncadd.s32 $0xFFFFFC00  }
0x8a: {  	s22 =	simm.s32 $0x0;
	[bflag:$0x0] =	sbarrier.arrive $0xFFFF  }
0x8b: {  	[tilespmem:s18], [sflag:$0x1] =	stream.indirect.gather [hbm4b:s1+s17], $0x80, s22, s17, $0xb8;
	[tilespmem:$0x1F900] =	vst v63  }
0x8c: {  	s28 =	simm.s32 $0x40  }
0x8d: {  	[tilespmem:s19], [sflag:$0x2] =	stream.indirect.gather [hbm4b:s1+s17], $0x80, s28, s17, $0xb8;
	[tilespmem:$0x1F900] =	vst v63  }
0x8e: {  	_ =	swait.ge [sflag:s20], $0x2000  }
0x8f: {  	[sflag:s20] =	ssyncset.done $0x0  }
0x90: {  	s29 =	simm.s32 $0x3C80;
	[sflag:s20] =	ssyncadd.s32 $0xFFFFE000  }
0x91: {  	[spmem:s2] =	stream.indirect.scatter.add.f32 [tilespmem:s18], [sflag:$0x3], $0x80, s29, s17, $0xb8;
	[tilespmem:$0x1F900] =	vst v63  }
0x92: {  	_ =	swait.ge [sflag:s14], $0x2000  }
0x93: {  	[sflag:s14] =	ssyncset.done $0x0  }
0x94: {  	s30 =	simm.s32 $0x80;
	[sflag:s14] =	ssyncadd.s32 $0xFFFFE000  }
0x95: {  	[tilespmem:s18], [sflag:$0x1] =	stream.indirect.gather [hbm4b:s1+s17], $0x80, s30, s17, $0xb8;
	[tilespmem:$0x1F900] =	vst v63  }
0x96: {  	_ =	swait.ge [sflag:s21], $0x2000  }
0x97: {  	[sflag:s21] =	ssyncset.done $0x0  }
0x98: {  	s31 =	simm.s32 $0x3CC0;
	[sflag:s21] =	ssyncadd.s32 $0xFFFFE000  }
0x99: {  	[spmem:s2] =	stream.indirect.scatter.add.f32 [tilespmem:s19], [sflag:$0x3], $0x80, s31, s17, $0xb8;
	[tilespmem:$0x1F900] =	vst v63  }
0x9a: {  	_ =	swait.ge [sflag:s14], $0x2000  }
0x9b: {  	s23 =	simm.s32 $0x400;
	s22 =	simm.s32 $0x80;
	[sflag:s14] =	ssyncset.done $0x0  }
.LBB2_11:
0x9c: {  	s24 =	sadd.s32 $0x40, s22  }
0x9d: {  	[sflag:s14] =	ssyncadd.s32 $0xFFFFE000;
	s25 =	smov.u32 s23;
	s26 =	sadd.s32 $0x200, s23  }
0x9e: {  	[tilespmem:s19], [sflag:$0x2] =	stream.indirect.gather [hbm4b:s1+s17], $0x80, s24, s17, $0xb8;
	[tilespmem:$0x1F900] =	vst v63  }
0x9f: {  	p1 =	sne.s32 s23, $0x4600;
	_ =	swait.ge [sflag:s20], $0x2000  }
0xa0: {  	[sflag:s20] =	ssyncset.done $0x0  }
0xa1: {  	s23 =	sadd.s32 $0x3C80, s22;
	[sflag:s20] =	ssyncadd.s32 $0xFFFFE000  }
0xa2: {  	[spmem:s2] =	stream.indirect.scatter.add.f32 [tilespmem:s18], [sflag:$0x3], $0x80, s23, s17, $0xb8;
	[tilespmem:$0x1F900] =	vst v63  }
0xa3: {  	_ =	swait.ge [sflag:s14], $0x2000  }
0xa4: {  	[sflag:s14] =	ssyncset.done $0x0  }
0xa5: {  	s23 =	sadd.s32 $0x80, s22;
	[sflag:s14] =	ssyncadd.s32 $0xFFFFE000  }
0xa6: {  	[tilespmem:s18], [sflag:$0x1] =	stream.indirect.gather [hbm4b:s1+s17], $0x80, s23, s17, $0xb8;
	[tilespmem:$0x1F900] =	vst v63  }
0xa7: {  	_ =	swait.ge [sflag:s21], $0x2000  }
.Ltmp4:
0xa8: {  	[sflag:s21] =	ssyncset.done $0x0;
	(pc) =	sbr.rel @p1 .LBB2_11-.Ltmp4, $4  }
0xa9: {  	s22 =	sadd.s32 $0x3CC0, s22;
	[sflag:s21] =	ssyncadd.s32 $0xFFFFE000  }
0xaa: {  	[spmem:s2] =	stream.indirect.scatter.add.f32 [tilespmem:s19], [sflag:$0x3], $0x80, s22, s17, $0xb8;
	[tilespmem:$0x1F900] =	vst v63  }
0xab: {  	_ =	swait.ge [sflag:s14], $0x2000  }
0xac: {  	s23 =	smov.u32 s26;
	s22 =	sshra.s32 s25, $0x2;
	[sflag:s14] =	ssyncset.done $0x0  }
0xad: {  	s23 =	sadd.s32 $0x40, s22;
	[sflag:s14] =	ssyncadd.s32 $0xFFFFE000  }
0xae: {  	[tilespmem:s19], [sflag:$0x2] =	stream.indirect.gather [hbm4b:s1+s17], $0x80, s23, s17, $0xb8;
	[tilespmem:$0x1F900] =	vst v63  }
0xaf: {  	_ =	swait.ge [sflag:s20], $0x2000  }
0xb0: {  	[sflag:s20] =	ssyncset.done $0x0  }
0xb1: {  	s29 =	sadd.s32 $0x3C80, s22;
	[sflag:s20] =	ssyncadd.s32 $0xFFFFE000  }
0xb2: {  	[spmem:s2] =	stream.indirect.scatter.add.f32 [tilespmem:s18], [sflag:$0x3], $0x80, s29, s17, $0xb8;
	[tilespmem:$0x1F900] =	vst v63  }
0xb3: {  	_ =	swait.ge [sflag:s14], $0x2000  }
0xb4: {  	[sflag:s14] =	ssyncset.done $0x0  }
0xb5: {  	s30 =	sadd.s32 $0x80, s22;
	[sflag:s14] =	ssyncadd.s32 $0xFFFFE000  }
0xb6: {  	[tilespmem:s18], [sflag:$0x1] =	stream.indirect.gather [hbm4b:s1+s17], $0x80, s30, s17, $0xb8;
	[tilespmem:$0x1F900] =	vst v63  }
0xb7: {  	_ =	swait.ge [sflag:s21], $0x2000  }
0xb8: {  	[sflag:s21] =	ssyncset.done $0x0  }
.Ltmp5:
0xb9: {  	s31 =	sadd.s32 $0x3CC0, s22;
	[sflag:s21] =	ssyncadd.s32 $0xFFFFE000;
	(pc) =	sbr.rel .LBB2_13-.Ltmp5, $4  }
0xba: {  	[spmem:s2] =	stream.indirect.scatter.add.f32 [tilespmem:s19], [sflag:$0x3], $0x80, s31, s17, $0xb8;
	[tilespmem:$0x1F900] =	vst v63  }
0xbb: {  	_ =	swait.ge [sflag:s14], $0x2000  }
0xbc: {  	s22 =	simm.s32 $0x4EC0;
	s24 =	simm.s32 $0x4E80;
	[sflag:s14] =	ssyncset.done $0x0  }
0xbd: {  	s25 =	simm.s32 $0x1240;
	s23 =	smov.u32 s12;
	[sflag:s14] =	ssyncadd.s32 $0xFFFFE000  }
.LBB2_2:
0xbe: {  	[tilespmem:s22], [sflag:$0x3] =	stream.linear.gather [hbm4b:s6+s22], $0x3C80, $0x38;
	[tilespmem:$0x1F900] =	vst v63  }
0xbf: {  	_ =	swait.ge [sflag:s14], $0x3C80  }
0xc0: {  	[sflag:s14] =	ssyncset.done $0x0  }
0xc1: {  	[sflag:s14] =	ssyncadd.s32 $0xFFFFC380  }
0xc2: {  	[tilespmem:s15], [sflag:$0x3] =	stream.linear.gather [hbm4b:s7+s22], $0x3C80, $0x38;
	[tilespmem:$0x1F900] =	vst v63  }
0xc3: {  	_ =	swait.ge [sflag:s14], $0x3C80  }
0xc4: {  	[sflag:s14] =	ssyncset.done $0x0  }
0xc5: {  	[sflag:s14] =	ssyncadd.s32 $0xFFFFC380  }
0xc6: {  	[tilespmem:$0xB900] =	vst v0  }
0xc7: {  	[tilespmem:$0xB910] =	vst v0  }
0xc8: {  	[tilespmem:$0xB920] =	vst v0  }
0xc9: {  	[tilespmem:$0xB930] =	vst v0  }
0xca: {  	[tilespmem:$0xB940] =	vst v0  }
0xcb: {  	[tilespmem:$0xB950] =	vst v0  }
0xcc: {  	[tilespmem:$0xB960] =	vst v0  }
0xcd: {  	[tilespmem:$0xB970] =	vst v0  }
0xce: {  	[tilespmem:$0xB980] =	vst v0  }
0xcf: {  	[tilespmem:$0xB990] =	vst v0  }
0xd0: {  	[tilespmem:$0xB9A0] =	vst v0  }
0xd1: {  	[tilespmem:$0xB9B0] =	vst v0  }
0xd2: {  	[tilespmem:$0xB9C0] =	vst v0  }
0xd3: {  	[tilespmem:$0xB9D0] =	vst v0  }
0xd4: {  	[tilespmem:$0xB9E0] =	vst v0  }
0xd5: {  	[tilespmem:$0xB9F0] =	vst v0  }
0xd6: {  	[tilespmem:$0xBA00] =	vst v0  }
0xd7: {  	[tilespmem:$0xBA10] =	vst v0  }
0xd8: {  	[tilespmem:$0xBA20] =	vst v0  }
0xd9: {  	[tilespmem:$0xBA30] =	vst v0  }
0xda: {  	[tilespmem:$0xBA40] =	vst v0  }
0xdb: {  	[tilespmem:$0xBA50] =	vst v0  }
0xdc: {  	[tilespmem:$0xBA60] =	vst v0  }
0xdd: {  	[tilespmem:$0xBA70] =	vst v0  }
0xde: {  	[tilespmem:$0xBA80] =	vst v0  }
0xdf: {  	[tilespmem:$0xBA90] =	vst v0  }
0xe0: {  	[tilespmem:$0xBAA0] =	vst v0  }
0xe1: {  	[tilespmem:$0xBAB0] =	vst v0  }
0xe2: {  	[tilespmem:$0xBAC0] =	vst v0  }
0xe3: {  	[tilespmem:$0xBAD0] =	vst v0  }
0xe4: {  	[tilespmem:$0xBAE0] =	vst v0  }
0xe5: {  	[tilespmem:$0xBAF0] =	vst v0  }
0xe6: {  	[tilespmem:$0xBB00] =	vst v0  }
0xe7: {  	[tilespmem:$0xBB10] =	vst v0  }
0xe8: {  	[tilespmem:$0xBB20] =	vst v0  }
0xe9: {  	[tilespmem:$0xBB30] =	vst v0  }
0xea: {  	[tilespmem:$0xBB40] =	vst v0  }
0xeb: {  	[tilespmem:$0xBB50] =	vst v0  }
0xec: {  	[tilespmem:$0xBB60] =	vst v0  }
0xed: {  	[tilespmem:$0xBB70] =	vst v0  }
0xee: {  	[tilespmem:$0xBB80] =	vst v0  }
0xef: {  	[tilespmem:$0xBB90] =	vst v0  }
0xf0: {  	[tilespmem:$0xBBA0] =	vst v0  }
0xf1: {  	[tilespmem:$0xBBB0] =	vst v0  }
0xf2: {  	[tilespmem:$0xBBC0] =	vst v0  }
0xf3: {  	[tilespmem:$0xBBD0] =	vst v0  }
0xf4: {  	[tilespmem:$0xBBE0] =	vst v0  }
0xf5: {  	[tilespmem:$0xBBF0] =	vst v0  }
0xf6: {  	[tilespmem:$0xBC00] =	vst v0  }
0xf7: {  	[tilespmem:$0xBC10] =	vst v0  }
0xf8: {  	[tilespmem:$0xBC20] =	vst v0  }
0xf9: {  	[tilespmem:$0xBC30] =	vst v0  }
0xfa: {  	[tilespmem:$0xBC40] =	vst v0  }
0xfb: {  	[tilespmem:$0xBC50] =	vst v0  }
0xfc: {  	[tilespmem:$0xBC60] =	vst v0  }
0xfd: {  	[tilespmem:$0xBC70] =	vst v0  }
0xfe: {  	[tilespmem:$0xBC80] =	vst v0  }
0xff: {  	[tilespmem:$0xBC90] =	vst v0  }
0x100: {  	[tilespmem:$0xBCA0] =	vst v0  }
0x101: {  	[tilespmem:$0xBCB0] =	vst v0  }
0x102: {  	[tilespmem:$0xBCC0] =	vst v0  }
0x103: {  	[tilespmem:$0xBCD0] =	vst v0  }
0x104: {  	[tilespmem:$0xBCE0] =	vst v0  }
0x105: {  	s31 =	sadd.s32 $0x0, s8;
	[tilespmem:$0xBCF0] =	vst v0  }
0x106: {  	[spmem:s31] =	stream.linear.scatter [tilespmem:s16], [sflag:$0x3], $0x400, $0x38;
	[tilespmem:$0x1F900] =	vst v63  }
0x107: {  	s22 =	simm.s32 $0x1000;
	_ =	swait.ge [sflag:s14], $0x400  }
.LBB2_3:
0x108: {  	s23 =	sshra.s32 s22, $0x2;
	[sflag:s14] =	ssyncset.done $0x0;
	p1 =	sne.s32 s22, $0x4E000  }
.Ltmp6:
0x109: {  	s23 =	sadd.s32 s23, s8;
	[sflag:s14] =	ssyncadd.s32 $0xFFFFFC00;
	(pc) =	sbr.rel @p1 .LBB2_3-.Ltmp6, $3  }
0x10a: {  	[spmem:s23] =	stream.linear.scatter [tilespmem:s16], [sflag:$0x3], $0x400, $0x38;
	[tilespmem:$0x1F900] =	vst v63  }
0x10b: {  	s22 =	sadd.s32 $0x1000, s22;
	_ =	sdelay $0x1  }
0x10c: {  	_ =	swait.ge [sflag:s14], $0x400  }
0x10d: {  	p2 =	por $0x0, $0x0  }
.Ltmp7:
0x10e: {  	[sflag:s14] =	ssyncset.done $0x0;
	(pc) =	sbr.rel @p2 .LBB2_7-.Ltmp7, $4  }
0x10f: {  	[sflag:s14] =	ssyncadd.s32 $0xFFFFFC00  }
0x110: {  	s22 =	simm.s32 $0x0;
	[bflag:$0x0] =	sbarrier.arrive $0xFFFF  }
0x111: {  	[tilespmem:s18], [sflag:$0x1] =	stream.indirect.gather [hbm4b:s1+s17], $0x80, s22, s17, $0xb8;
	[tilespmem:$0x1F900] =	vst v63  }
0x112: {  	p1 =	por $0x0, $0x0;
	s22 =	simm.s32 $0x0  }
0x113: {  	s22 =	simm.s32 $0x40  }
0x114: {  	[tilespmem:s19], [sflag:$0x2] =	stream.indirect.gather [hbm4b:s1+s17], $0x80, s22, s17, $0xb8;
	[tilespmem:$0x1F900] =	vst v63  }
0x115: {  	_ =	swait.ge [sflag:s20], $0x2000  }
0x116: {  	[sflag:s20] =	ssyncset.done $0x0  }
0x117: {  	s29 =	simm.s32 $0x3C80;
	[sflag:s20] =	ssyncadd.s32 $0xFFFFE000  }
0x118: {  	[spmem:s2] =	stream.indirect.scatter.add.f32 [tilespmem:s18], [sflag:$0x3], $0x80, s29, s17, $0xb8;
	[tilespmem:$0x1F900] =	vst v63  }
0x119: {  	_ =	swait.ge [sflag:s14], $0x2000  }
0x11a: {  	[sflag:s14] =	ssyncset.done $0x0  }
0x11b: {  	s30 =	simm.s32 $0x80;
	[sflag:s14] =	ssyncadd.s32 $0xFFFFE000  }
0x11c: {  	[tilespmem:s18], [sflag:$0x1] =	stream.indirect.gather [hbm4b:s1+s17], $0x80, s30, s17, $0xb8;
	[tilespmem:$0x1F900] =	vst v63  }
0x11d: {  	p2 =	por $0x0, $0x0;
	_ =	swait.ge [sflag:s21], $0x2000  }
.Ltmp8:
0x11e: {  	[sflag:s21] =	ssyncset.done $0x0;
	(pc) =	sbr.rel @p2 .LBB2_7-.Ltmp8, $4  }
0x11f: {  	s31 =	simm.s32 $0x3CC0;
	[sflag:s21] =	ssyncadd.s32 $0xFFFFE000  }
0x120: {  	[spmem:s2] =	stream.indirect.scatter.add.f32 [tilespmem:s19], [sflag:$0x3], $0x80, s31, s17, $0xb8;
	[tilespmem:$0x1F900] =	vst v63  }
0x121: {  	s23 =	simm.s32 $0x400;
	_ =	swait.ge [sflag:s14], $0x2000  }
0x122: {  	p1 =	por $0x1, $0x1;
	s22 =	simm.s32 $0x80;
	[sflag:s14] =	ssyncset.done $0x0  }
.LBB2_6:
0x123: {  	s24 =	sadd.s32 $0x40, s22  }
0x124: {  	[sflag:s14] =	ssyncadd.s32 $0xFFFFE000;
	s25 =	smov.u32 s23;
	s26 =	sadd.s32 $0x200, s23  }
0x125: {  	[tilespmem:s19], [sflag:$0x2] =	stream.indirect.gather [hbm4b:s1+s17], $0x80, s24, s17, $0xb8;
	[tilespmem:$0x1F900] =	vst v63  }
0x126: {  	p2 =	seq.s32 s23, $0xEE00;
	_ =	swait.ge [sflag:s20], $0x2000  }
0x127: {  	[sflag:s20] =	ssyncset.done $0x0  }
0x128: {  	s23 =	sadd.s32 $0x3C80, s22;
	[sflag:s20] =	ssyncadd.s32 $0xFFFFE000  }
0x129: {  	[spmem:s2] =	stream.indirect.scatter.add.f32 [tilespmem:s18], [sflag:$0x3], $0x80, s23, s17, $0xb8;
	[tilespmem:$0x1F900] =	vst v63  }
0x12a: {  	_ =	swait.ge [sflag:s14], $0x2000  }
0x12b: {  	[sflag:s14] =	ssyncset.done $0x0  }
0x12c: {  	s23 =	sadd.s32 $0x80, s22;
	[sflag:s14] =	ssyncadd.s32 $0xFFFFE000  }
0x12d: {  	[tilespmem:s18], [sflag:$0x1] =	stream.indirect.gather [hbm4b:s1+s17], $0x80, s23, s17, $0xb8;
	[tilespmem:$0x1F900] =	vst v63  }
0x12e: {  	_ =	swait.ge [sflag:s21], $0x2000  }
.Ltmp9:
0x12f: {  	[sflag:s21] =	ssyncset.done $0x0;
	(pc) =	sbr.rel @!p2 .LBB2_6-.Ltmp9, $4  }
0x130: {  	s22 =	sadd.s32 $0x3CC0, s22;
	[sflag:s21] =	ssyncadd.s32 $0xFFFFE000  }
0x131: {  	[spmem:s2] =	stream.indirect.scatter.add.f32 [tilespmem:s19], [sflag:$0x3], $0x80, s22, s17, $0xb8;
	[tilespmem:$0x1F900] =	vst v63  }
0x132: {  	_ =	swait.ge [sflag:s14], $0x2000  }
0x133: {  	s23 =	smov.u32 s26;
	s22 =	sshra.s32 s25, $0x2;
	[sflag:s14] =	ssyncset.done $0x0  }
.Ltmp10:
0x134: {  	_ = 	snop;
	(pc) =	sbr.rel .LBB2_7-.Ltmp10, $1  }
0x135: {  	_ =	sdelay $0x3  }
.LBB2_14:
0x136: {  	_ =	sfence.sel $0x180000  }
0x137: {  	[bflag:$0x0] =	sbarrier.arrive $0xFFFF  }
0x138: {  	p0 =	sne.s32 s4, $0x0;
	_ =	strace $0x9000004A  }
0x139: {  	s0 =	sadd.s32 @!p0 $0x100000, s0;
	[bflag:$0x2] =	sbarrier.arrive $0xFFFF  }
0x13a: {  	[sflag:s0] =	ssyncadd.tile.s32 @!p0 $0x1;
	_ =	shalt  }
.Lfunc_end2:
_tile_overlayer_lowered:
.L_overlay_start_2:
0x13b: {  	(tag) =	ssettag $0x2  }
0x13c: {  	s0 =	rddreg [dreg:$0x0];
	s2 =	stileid.u32  }
0x13d: {  	s1 =	rddreg [dreg:$0x1];
	p0 =	sne.s32 s2, $0x0  }
0x13e: {  	s3 =	rddreg [dreg:$0x2];
	[bflag:$0x3] =	sbarrier.arrive $0xFFFF;
	s2 =	simm.s32 @!p0 $0x1C03  }
0x13f: {  	[timem:s3], [sflag:s2] =	dma.local @!p0 [hbm:s0], s1  }
0x140: {  	s0 =	simm.s32 @!p0 $0x3  }
0x141: {  	_ =	swait.ge @!p0 [sflag:s0], s1  }
0x142: {  	s1 =	ssub.s32 @!p0 $0x0, s1;
	[sflag:s0] =	ssyncset.done @!p0 $0x0  }
0x143: {  	[sflag:s0] =	ssyncadd.s32 @!p0 s1  }
0x144: {  	[bflag:$0x3] =	sbarrier.arrive $0xFFFF  }
0x145: {  	_ =	shalt  }

// kernel: kernel.5.cloned.1.call-start
scs
__scs_entry_jumppad:
0x0: {  	(pc) =	sbr.rel $0x88, $3  }
0x1: {  	(tag) =	ssettag $0x0;
	lr =	simm.s32 $0x1  }
0x2: {  	[smem:$0x3F99] =	sst lr;
	_ =	strace $0xD0000000  }
0x3: {  	_ = 	snop  }
0x4: {  	_ = 	snop  }
0x5: {  	_ = 	snop  }
0x6: {  	_ = 	snop  }
0x7: {  	_ = 	snop  }
__scs_overlays_trampoline_lowered:
0x8: {  	[smem:$0x3FA8] =	sst s0  }
0x9: {  	[smem:$0x3FA9] =	sst s1  }
0xa: {  	[smem:$0x3FAA] =	sst s2  }
0xb: {  	[smem:$0x3FAB] =	sst s3  }
0xc: {  	[smem:$0x3FAC] =	sst s4  }
0xd: {  	[smem:$0x3FAD] =	sst s5  }
0xe: {  	[smem:$0x3FAE] =	sst s6  }
0xf: {  	[smem:$0x3FAF] =	sst s7  }
0x10: {  	[smem:$0x3FB0] =	sst s8  }
0x11: {  	[smem:$0x3FB1] =	sst s9;
	s0 =	simm.s32 @!p0 $0x0  }
0x12: {  	s1 =	sld [smem:$0x3F97];
	s0 =	simm.s32 @p0 $0x1  }
0x13: {  	[smem:$0x3FB2] =	sst s0;
	s0 =	simm.s32 @!p1 $0x0  }
0x14: {  	s2 =	sld [smem:$0x3F96];
	s0 =	simm.s32 @p1 $0x1  }
0x15: {  	[smem:$0x3FB3] =	sst s0;
	s0 =	simm.s32 @!p2 $0x0  }
0x16: {  	s3 =	sld [smem:$0x3FDB];
	s0 =	simm.s32 @p2 $0x1  }
0x17: {  	s4 =	simm.s32 $0x1BF5;
	[smem:$0x3FB5] =	sst s0  }
0x18: {  	s0 =	sld [smem:$0x3F98];
	_ =	swait.ge [sflag:s4], $0x0  }
0x19: {  	s7 =	sld [smem:$0x3F99]  }
0x1a: {  	s8 =	sadd.s32 $0xFFFFE003, lr  }
0x1b: {  	s9 =	sadd.s32 $0xFFFFFEF7, lr;
	s5 =	simm.s32 $0xFFFFFFFF;
	p2 =	slt.u32 s8, $0xFFFFF086  }
0x1c: {  	p1 =	slt.u32 s9, $0xF7A;
	s5 =	simm.s32 @!p2 $0x0  }
0x1d: {  	s5 =	simm.s32 @p1 $0x1;
	p0 =	seq.s32 s7, s2  }
0x1e: {  	s7 =	smul.u32 @!p0 $0xF7A, s2;
	p2 =	seq.s32 @!p0 s5, $0x0  }
0x1f: {  	s9 =	smul.u32 $0xF7A, s1;
	s8 =	simm.s32 @!p0 $0x1BF5;
	p2 =	por !p2, p0  }
0x20: {  	[sflag:s8] =	ssyncset.s32 @!p0 $0xFFFFF086;
	s6 =	sadd.s32 @!p0 s3, s7;
	s7 =	simm.s32 @!p0 $0x108  }
0x21: {  	s3 =	sadd.s32 s3, s9;
	s6 =	sadd.s32 @!p0 $0x88, s6;
	s7 =	simm.s32 @p2 $0x1082  }
0x22: {  	[simem:s7], [sflag:s8] =	dma.local @!p0 [hbm:s6], $0xF7A  }
0x23: {  	s9 =	sor.u32 $0xD0000000, s2;
	s6 =	simm.s32 $0x108;
	_ =	swait.ge @!p0 [sflag:s8], $0x0  }
0x24: {  	s3 =	sadd.s32 $0x88, s3;
	s6 =	simm.s32 @!p1 $0x1082;
	[sflag:s4] =	ssyncset.s32 $0xFFFFF086  }
0x25: {  	[simem:s6], [sflag:s4] =	dma.local [hbm:s3], $0xF7A  }
0x26: {  	[smem:$0x3F99] =	sst s1;
	(tag) =	ssettag s2;
	_ =	strace s9  }
0x27: {  	s1 =	sld [smem:$0x3FA9]  }
0x28: {  	s2 =	sld [smem:$0x3FAA]  }
0x29: {  	s4 =	sld [smem:$0x3FAC]  }
0x2a: {  	p0 =	seq.s32 s5, $0x0;
	s5 =	sld [smem:$0x3FAD]  }
0x2b: {  	s6 =	sld [smem:$0x3FAE]  }
0x2c: {  	s7 =	sld [smem:$0x3FAF]  }
0x2d: {  	s3 =	simm.s32 $0x108;
	s8 =	sld [smem:$0x3FB0]  }
0x2e: {  	s3 =	simm.s32 @!p0 $0x1082;
	s9 =	sld [smem:$0x3FB1]  }
0x2f: {  	lr =	sadd.s32 s0, s3;
	s0 =	sld [smem:$0x3FA8]  }
0x30: {  	s3 =	sld [smem:$0x3FAB]  }
0x31: {  	[smem:$0x3FB4] =	sst s10  }
0x32: {  	s10 =	sld [smem:$0x3FB2];
	_ =	sdelay $0x3  }
0x33: {  	p0 =	seq.s32 s10, $0x1;
	s10 =	sld [smem:$0x3FB4];
	_ =	sdelay $0x3  }
0x34: {  	[smem:$0x3FB4] =	sst s10  }
0x35: {  	s10 =	sld [smem:$0x3FB3];
	_ =	sdelay $0x3  }
0x36: {  	p1 =	seq.s32 s10, $0x1;
	s10 =	sld [smem:$0x3FB4];
	_ =	sdelay $0x3  }
0x37: {  	[smem:$0x3FB4] =	sst s10  }
0x38: {  	s10 =	sld [smem:$0x3FB5]  }
0x39: {  	_ = 	snop;
	(pc) =	sbr.ind lr, $3  }
0x3a: {  	_ = 	snop  }
0x3b: {  	_ = 	snop  }
0x3c: {  	p2 =	seq.s32 s10, $0x1;
	s10 =	sld [smem:$0x3FB4]  }
0x3d: {  	_ =	shalt  }
0x3e: {  	_ =	shalt  }
0x3f: {  	_ =	shalt  }
0x40: {  	_ =	shalt  }
0x41: {  	_ =	shalt  }
0x42: {  	_ =	shalt  }
0x43: {  	_ =	shalt  }
0x44: {  	_ =	shalt  }
0x45: {  	_ =	shalt  }
0x46: {  	_ =	shalt  }
0x47: {  	_ =	shalt  }
0x48: {  	_ =	shalt  }
0x49: {  	_ =	shalt  }
0x4a: {  	_ =	shalt  }
0x4b: {  	_ =	shalt  }
0x4c: {  	_ =	shalt  }
0x4d: {  	_ =	shalt  }
0x4e: {  	_ =	shalt  }
0x4f: {  	_ =	shalt  }
0x50: {  	_ =	shalt  }
0x51: {  	_ =	shalt  }
0x52: {  	_ =	shalt  }
0x53: {  	_ =	shalt  }
0x54: {  	_ =	shalt  }
0x55: {  	_ =	shalt  }
0x56: {  	_ =	shalt  }
0x57: {  	_ =	shalt  }
0x58: {  	_ =	shalt  }
0x59: {  	_ =	shalt  }
0x5a: {  	_ =	shalt  }
0x5b: {  	_ =	shalt  }
0x5c: {  	_ =	shalt  }
0x5d: {  	_ =	shalt  }
0x5e: {  	_ =	shalt  }
0x5f: {  	_ =	shalt  }
0x60: {  	_ =	shalt  }
0x61: {  	_ =	shalt  }
0x62: {  	_ =	shalt  }
0x63: {  	_ =	shalt  }
0x64: {  	_ =	shalt  }
0x65: {  	_ =	shalt  }
0x66: {  	_ =	shalt  }
0x67: {  	_ =	shalt  }
0x68: {  	_ =	shalt  }
0x69: {  	_ =	shalt  }
0x6a: {  	_ =	shalt  }
0x6b: {  	_ =	shalt  }
0x6c: {  	_ =	shalt  }
0x6d: {  	_ =	shalt  }
0x6e: {  	_ =	shalt  }
0x6f: {  	_ =	shalt  }
0x70: {  	_ =	shalt  }
0x71: {  	_ =	shalt  }
0x72: {  	_ =	shalt  }
0x73: {  	_ =	shalt  }
0x74: {  	_ =	shalt  }
0x75: {  	_ =	shalt  }
0x76: {  	_ =	shalt  }
0x77: {  	_ =	shalt  }
0x78: {  	_ =	shalt  }
0x79: {  	_ =	shalt  }
0x7a: {  	_ =	shalt  }
0x7b: {  	_ =	shalt  }
0x7c: {  	_ =	shalt  }
0x7d: {  	_ =	shalt  }
0x7e: {  	_ =	shalt  }
0x7f: {  	_ =	shalt  }
0x80: {  	_ =	shalt  }
0x81: {  	_ =	shalt  }
0x82: {  	_ =	shalt  }
0x83: {  	_ =	shalt  }
0x84: {  	_ =	shalt  }
0x85: {  	_ =	shalt  }
0x86: {  	_ =	shalt  }
0x87: {  	_ =	shalt  }
.Lfunc_end0:
.L_simem_size_0:
called_computation.1_lowered:
.L_overlay_start_0:
0x88: {  	s2 =	sld [smem:$0x3FD9]  }
0x89: {  	s3 =	sld [smem:$0x3FFE];
	_ =	sdelay $0x1  }
0x8a: {  	s1 =	srdreg.scid  }
0x8b: {  	s0 =	sand.u32 $0x1, s1  }
0x8c: {  	s17 =	sshll.u32 s0, $0xA;
	s2 =	sadd.s32 s3, s2  }
0x8d: {  	s2 =	sadd.s32 s2, s17  }
0x8e: {  	[smem:$0x3FC0] =	sst s2  }
0x8f: {  	_ = 	snop  }
0x90: {  	s2 =	sld [smem:$0x3FD0];
	(tm) =	ssettm $0x1  }
0x91: {  	s18 =	sld [smem:$0x3FFB];
	_ =	sdelay $0x3  }
0x92: {  	_ =	strace s18  }
0x93: {  	s3 =	sld [smem:$0x3FFC];
	_ =	sdelay $0x3  }
0x94: {  	_ =	strace s3  }
0x95: {  	s3 =	sld [smem:$0x3FFD];
	_ =	sdelay $0x3  }
0x96: {  	_ =	strace s3  }
0x97: {  	_ =	strace $0x8FFFFFFF  }
0x98: {  	s19 =	sld [smem:$0x3FDB];
	_ =	sdelay $0x1  }
0x99: {  	s4 =	simm.s32 $_scs_section_size  }
0x9a: {  	s5 =	simm.s32 $_size__tile_overlayer_lowered;
	s6 =	simm.s32 $_tile_overlayer_lowered  }
0x9b: {  	s22 =	simm.s32 $0x1BFF;
	s21 =	sshll.u32 s6, $0x1;
	s3 =	sadd.s32 s4, s19  }
0x9c: {  	s7 =	simm.s32 $0x0;
	s20 =	sshll.u32 s5, $0x1;
	s5 =	sadd.s32 s21, s3  }
0x9d: {  	[timem:s7], [sflag:s22] =	dma.local [hbm:s5], s20  }
0x9e: {  	_ =	swait.ge [sflag:s22], s20  }
0x9f: {  	s4 =	ssub.s32 $0x0, s20;
	[sflag:s22] =	ssyncset.done $0x0  }
0xa0: {  	[sflag:s22] =	ssyncadd.s32 s4;
	_ =	sdelay $0x1  }
0xa1: {  	s23 =	simm.s32 $0x1B8B  }
0xa2: {  	_ =	swait.ge [sflag:s23], $0x1  }
0xa3: {  	[sflag:s23] =	ssyncset.done $0x0  }
0xa4: {  	s25 =	simm.s32 $0x1B8E;
	s24 =	sld [smem:$0x3FFE];
	[sflag:s23] =	ssyncadd.s32 $0xFFFFFFFF  }
0xa5: {  	s26 =	simm.s32 $execute0_lowered;
	[smem:$0x3FD2] =	sst s25  }
0xa6: {  	s5 =	sshll.u32 s26, $0x1;
	_ =	strace $0x80000046;
	[dreg:$0x1] =	wrdreg $0xFFFFFFFF  }
0xa7: {  	s28 =	simm.s32 $_size_execute0_lowered;
	s3 =	sadd.s32 s3, s5;
	[dreg:$0x0] =	wrdreg $0x0  }
0xa8: {  	s5 =	sshll.u32 s28, $0x1;
	[dreg:$0x2] =	wrdreg s3  }
0xa9: {  	[dreg:$0x3] =	wrdreg s5  }
0xaa: {  	[dreg:$0x4] =	wrdreg $0xC0  }
0xab: {  	_ =	task [dreg:s7], $0x5FFFF  }
0xac: {  	[dreg:$0x1] =	wrdreg $0xFFFFFFFF  }
0xad: {  	[dreg:$0x0] =	wrdreg $0x60  }
0xae: {  	[dreg:$0x2] =	wrdreg s2  }
0xaf: {  	[dreg:$0x3] =	wrdreg s24  }
0xb0: {  	[dreg:$0x4] =	wrdreg $0x9  }
0xb1: {  	_ =	task.clear_ibuf [dreg:s7], $0x5FFFF;
	_ =	strace $0x90000046  }
0xb2: {  	s29 =	simm.s32 $0x9;
	_ =	strace $0x80000048  }
0xb3: {  	_ =	swait.ge [sflag:s29], $0x1  }
0xb4: {  	[sflag:s29] =	ssyncadd.s32 $0xFFFFFFFF  }
0xb5: {  	_ =	strace $0x90000048  }
0xb6: {  	_ =	sfence  }
0xb7: {  	s30 =	sld [smem:$0x0];
	_ =	sdelay $0x2  }
0xb8: {  	s31 =	sshll.u32 s1, $0xD;
	s1 =	sshrl.u32 s1, $0x2  }
0xb9: {  	s3 =	sand.u32 $0x4000, s31;
	s1 =	sadd.s32 s1, s30  }
0xba: {  	s0 =	sor.u32 s3, s0;
	s1 =	sshll.u32 s1, $0x11  }
0xbb: {  	s0 =	sor.u32 s1, s0  }
0xbc: {  	s0 =	sadd.s32 $0x8F2B, s0  }
0xbd: {  	[sflag:s0] =	ssyncadd.remote.s32 $0x1  }
0xbe: {  	_ =	sfence.sel $0xFFFF  }
0xbf: {  	[dreg:$0x0] =	wrdreg $0xFFFFFFFF;
	(pc) =	sbr.abs _section_cstart, $3  }
0xc0: {  	[dreg:$0x1] =	wrdreg $0xFFFFFFFF  }
0xc1: {  	_ =	task.clear_ibuf [dreg:s7], $0x2FFFF;
	_ =	strace $0x9FFFFFFF  }
0xc2: {  	(tm) =	ssettm $0x7FFFFFFF  }
0xc3: {  	_ =	shalt  }
tec
execute0_lowered:
.L_overlay_start_1:
0x0: {  	(tag) =	ssettag $0x1  }
0x1: {  	s1 =	srdreg.scid  }
0x2: {  	s0 =	stileid.u32;
	s4 =	rddreg [dreg:$0x0]  }
0x3: {  	s6 =	rddreg [dreg:$0x1];
	s3 =	sand.u32 $0x1, s1;
	s29 =	sshll.u32 s0, $0x1  }
0x4: {  	s2 =	simm.s32 $0x0;
	s30 =	sshrl.u32 s0, $0x2;
	s5 =	sor.u32 s3, s29  }
0x5: {  	s9 =	simm.s32 $0x400;
	s7 =	smul.u32 $0x13C00, s30;
	s8 =	sshll.u32 s5, $0x7  }
0x6: {  	s10 =	simm.s32 $0x0;
	s1 =	rddreg [dreg:$0x2];
	s8 =	sand.u32 $0x380, s8  }
0x7: {  	[smem:$0x7FF] =	sst s2;
	s3 =	ssub.s32 $0x2, s3;
	s7 =	sor.u32 s7, s8  }
0x8: {  	_ =	strace $0x80000047;
	s5 =	smul.u32 $0x500, s5;
	s7 =	sshrl.u32 s7, $0x3  }
0x9: {  	s31 =	sshrl.u32 s3, $0x1;
	s8 =	simm.s32 $0x80;
	s6 =	sadd.s32 s7, s6  }
0xa: {  	s7 =	ssub.s32 s3, s31;
	s3 =	sadd.s32 s4, s5;
	s4 =	sadd.s32 $0x2400, s6  }
0xb: {  	v0 =	vimm.f32 $0.0e+00;
	v1 =	vimm.f32 $1.000000000e+00;
	s5 =	smax.u32 s7, $0x1;
	s6 =	simm.s32 $0x1;
	s7 =	simm.s32 $0x2800  }
.LBB2_1:
0xc: {  	[tilespmem:s2], [sflag:$0x1] =	stream.linear.gather [hbm4b:s3+s2], $0x2780, $0x38;
	[tilespmem:$0x4F80] =	vst v63  }
0xd: {  	_ =	swait.ge [sflag:s6], $0x2780  }
0xe: {  	[sflag:s6] =	ssyncset.done $0x0  }
0xf: {  	s11 =	simm.s32 $0x0;
	[sflag:s6] =	ssyncadd.s32 $0xFFFFD880  }
.LBB2_2:
0x10: {  	p0 =	sne.s32 s11, $0x9DC0  }
.Ltmp0:
0x11: {  	_ = 	snop;
	(pc) =	sbr.rel @p0 .LBB2_2-.Ltmp0, $3  }
0x12: {  	_ =	sdelay $0x1  }
0x13: {  	s12 =	sshra.s32 s11, $0x2  }
0x14: {  	s11 =	sadd.s32 $0x40, s11;
	[tilespmem:s12+$0x2800] =	vst v0  }
0x15: {  	s11 =	simm.s32 $0x0  }
.LBB2_4:
0x16: {  	s12 =	sshra.s32 s11, $0x2  }
0x17: {  	v2 =	vld [tilespmem:s12+$0x0];
	_ =	sdelay $0x7  }
0x18: {  	[tilespmem:v2+s7+$0x0] =	vst.idx.add.f32.msk $0xffff, v1  }
0x19: {  	v2 =	vld [tilespmem:s12+$0x10];
	_ =	sdelay $0x7  }
0x1a: {  	[tilespmem:v2+s7+$0x0] =	vst.idx.add.f32.msk $0xffff, v1  }
0x1b: {  	v2 =	vld [tilespmem:s12+$0x20];
	_ =	sdelay $0x7  }
0x1c: {  	[tilespmem:v2+s7+$0x0] =	vst.idx.add.f32.msk $0xffff, v1  }
0x1d: {  	v2 =	vld [tilespmem:s12+$0x30];
	_ =	sdelay $0x7  }
0x1e: {  	[tilespmem:v2+s7+$0x0] =	vst.idx.add.f32.msk $0xffff, v1  }
0x1f: {  	v2 =	vld [tilespmem:s12+$0x40];
	_ =	sdelay $0x7  }
0x20: {  	[tilespmem:v2+s7+$0x0] =	vst.idx.add.f32.msk $0xffff, v1  }
0x21: {  	v2 =	vld [tilespmem:s12+$0x50];
	_ =	sdelay $0x7  }
0x22: {  	[tilespmem:v2+s7+$0x0] =	vst.idx.add.f32.msk $0xffff, v1  }
0x23: {  	v2 =	vld [tilespmem:s12+$0x60];
	_ =	sdelay $0x7  }
0x24: {  	[tilespmem:v2+s7+$0x0] =	vst.idx.add.f32.msk $0xffff, v1  }
0x25: {  	v2 =	vld [tilespmem:s12+$0x70];
	_ =	sdelay $0x2  }
0x26: {  	p0 =	sne.s32 s11, $0x9C00  }
.Ltmp1:
0x27: {  	_ = 	snop;
	(pc) =	sbr.rel @p0 .LBB2_4-.Ltmp1, $2  }
0x28: {  	_ =	sdelay $0x2  }
0x29: {  	s11 =	sadd.s32 $0x200, s11;
	[tilespmem:v2+s7+$0x0] =	vst.idx.add.f32.msk $0xffff, v1  }
0x2a: {  	s10 =	sadd.s32 $0x1, s10  }
0x2b: {  	p0 =	sne.s32 s10, s5  }
.Ltmp2:
0x2c: {  	_ = 	snop;
	(pc) =	sbr.rel @p0 .LBB2_1-.Ltmp2, $4  }
0x2d: {  	[hbm4b:s4+s8] =	stream.strided.scatter [tilespmem:s7], [sflag:$0x1], $0x2780, s9, s8, $0x38;
	[tilespmem:$0x4F80] =	vst v63  }
0x2e: {  	_ =	swait.ge [sflag:s6], $0x2780  }
0x2f: {  	[sflag:s6] =	ssyncset.done $0x0  }
0x30: {  	[sflag:s6] =	ssyncadd.s32 $0xFFFFD880  }
0x31: {  	_ =	sfence.sel $0x180000  }
0x32: {  	[bflag:$0x0] =	sbarrier.arrive $0xFFFF  }
0x33: {  	p0 =	sne.s32 s0, $0x0;
	_ =	strace $0x90000047  }
0x34: {  	s0 =	sadd.s32 @!p0 $0x100000, s1;
	[bflag:$0x2] =	sbarrier.arrive $0xFFFF  }
0x35: {  	[sflag:s0] =	ssyncadd.tile.s32 @!p0 $0x1;
	_ =	shalt  }
.Lfunc_end2:
_tile_overlayer_lowered:
.L_overlay_start_2:
0x36: {  	(tag) =	ssettag $0x2  }
0x37: {  	s0 =	rddreg [dreg:$0x0];
	s2 =	stileid.u32  }
0x38: {  	s1 =	rddreg [dreg:$0x1];
	p0 =	sne.s32 s2, $0x0  }
0x39: {  	s3 =	rddreg [dreg:$0x2];
	[bflag:$0x3] =	sbarrier.arrive $0xFFFF;
	s2 =	simm.s32 @!p0 $0x1C01  }
0x3a: {  	[timem:s3], [sflag:s2] =	dma.local @!p0 [hbm:s0], s1  }
0x3b: {  	s0 =	simm.s32 @!p0 $0x1  }
0x3c: {  	_ =	swait.ge @!p0 [sflag:s0], s1  }
0x3d: {  	s1 =	ssub.s32 @!p0 $0x0, s1;
	[sflag:s0] =	ssyncset.done @!p0 $0x0  }
0x3e: {  	[sflag:s0] =	ssyncadd.s32 @!p0 s1  }
0x3f: {  	[bflag:$0x3] =	sbarrier.arrive $0xFFFF  }
0x40: {  	_ =	shalt  }

</sc_bundles>
